<compile_context>
chip_gen: v7x
topology: tpu7x:2x2x1
jax: 0.10.2.dev20260603
libtpu: 0.0.44.dev20260713+nightly
codegen_flags: <defaults>
</compile_context>

<pallas_src>
import functools

import jax
import jax.numpy as jnp
from jax import lax
from jax.experimental import pallas as pl
from jax.experimental.pallas import tpu as pltpu
from jax.experimental.pallas import tpu_sc as plsc

N = 10000
E = 320000
D = 128
TE = 8
NC = 2
NS = 16
NTILE = NC * NS
CHUNK = 128
EPT = E // NTILE
NFULL = EPT // CHUNK
TAIL = EPT - NFULL * CHUNK
NBUF = 2
NITER = NFULL // NBUF
N_PAD = 10128
BIGROWS = 640
LAST_Z = N_PAD - 15 * BIGROWS
LAST_W = N - 15 * BIGROWS


def _make_agg(Dp):
    mesh = plsc.VectorSubcoreMesh(core_axis_name="c", subcore_axis_name="s")

    @functools.partial(
        pl.kernel,
        mesh=mesh,
        compiler_params=pltpu.CompilerParams(use_tc_tiling_on_sc=False),
        out_type=jax.ShapeDtypeStruct((NC, N, Dp), jnp.float32),
        scratch_types=[
            pltpu.VMEM((CHUNK,), jnp.int32),
            pltpu.VMEM((CHUNK,), jnp.int32),
            pltpu.VMEM((CHUNK,), jnp.int32),
            pltpu.VMEM((CHUNK,), jnp.int32),
            pltpu.VMEM((CHUNK, Dp), jnp.float32),
            pltpu.VMEM((CHUNK, Dp), jnp.float32),
            pltpu.VMEM((TAIL,), jnp.int32),
            pltpu.VMEM((TAIL,), jnp.int32),
            pltpu.VMEM((TAIL, Dp), jnp.float32),
            pltpu.VMEM_SHARED((N_PAD, Dp), jnp.float32),
            pltpu.SemaphoreType.DMA,
            pltpu.SemaphoreType.DMA,
        ],
    )
    def agg(h_hbm, src_hbm, dst_hbm, zeros_hbm, out_hbm,
            sa0, sa1, da0, da1, b0, b1, sat, dat, bt,
            acc_sh, g0, g1):
        bufs = (b0, b1)
        sidx = (sa0, sa1)
        didx = (da0, da1)
        gsem = (g0, g1)
        cid = lax.axis_index("c")
        sid = lax.axis_index("s")
        tid = sid * NC + cid

        @pl.when(sid < 15)
        def _():
            pltpu.sync_copy(zeros_hbm, acc_sh.at[pl.ds(sid * BIGROWS, BIGROWS)])

        @pl.when(sid == 15)
        def _():
            pltpu.sync_copy(zeros_hbm.at[pl.ds(0, LAST_Z)],
                            acc_sh.at[pl.ds(15 * BIGROWS, LAST_Z)])

        plsc.subcore_barrier()

        ebase = tid * EPT

        def body(k, carry):
            cps = []
            for b in range(NBUF):
                eb = ebase + (k * NBUF + b) * CHUNK
                pltpu.sync_copy(src_hbm.at[pl.ds(eb, CHUNK)], sidx[b])
                pltpu.sync_copy(dst_hbm.at[pl.ds(eb, CHUNK)], didx[b])
                cps.append(
                    pltpu.async_copy(h_hbm.at[sidx[b]], bufs[b], gsem[b]))
            for b in range(NBUF):
                cps[b].wait()
                pltpu.sync_copy(bufs[b], acc_sh.at[didx[b]], add=True)
            return carry

        lax.fori_loop(0, NITER, body, 0)

        bt_off = ebase + NFULL * CHUNK
        pltpu.sync_copy(src_hbm.at[pl.ds(bt_off, TAIL)], sat)
        pltpu.sync_copy(dst_hbm.at[pl.ds(bt_off, TAIL)], dat)
        pltpu.async_copy(h_hbm.at[sat], bt, g0).wait()
        pltpu.sync_copy(bt, acc_sh.at[dat], add=True)

        plsc.subcore_barrier()

        @pl.when(sid < 15)
        def _():
            pltpu.sync_copy(acc_sh.at[pl.ds(sid * BIGROWS, BIGROWS)],
                            out_hbm.at[cid, pl.ds(sid * BIGROWS, BIGROWS)])

        @pl.when(sid == 15)
        def _():
            pltpu.sync_copy(acc_sh.at[pl.ds(15 * BIGROWS, LAST_W)],
                            out_hbm.at[cid, pl.ds(15 * BIGROWS, LAST_W)])

    return agg


_agg_144 = _make_agg(144)
_agg_128 = _make_agg(128)


def _mlp_body(h_ref, p_ref, w1_ref, b1_ref, w2_ref, b2_ref, o_ref):
    z = h_ref[...] + p_ref[0] + p_ref[1]
    y = jnp.maximum(
        jnp.dot(z, w1_ref[...], preferred_element_type=jnp.float32) + b1_ref[...], 0.0)
    o_ref[...] = jnp.maximum(
        jnp.dot(y, w2_ref[...], preferred_element_type=jnp.float32) + b2_ref[...], 0.0)


def _mlp(h, parts, w1, b1, w2, b2):
    n, dp = h.shape
    blk = 2000
    full = lambda *shape: pl.BlockSpec(shape, lambda i: (0,) * len(shape))
    return pl.pallas_call(
        _mlp_body,
        grid=(n // blk,),
        in_specs=[
            pl.BlockSpec((blk, dp), lambda i: (i, 0)),
            pl.BlockSpec((NC, blk, dp), lambda i: (0, i, 0)),
            full(dp, D), full(1, D), full(D, D), full(1, D),
        ],
        out_specs=pl.BlockSpec((blk, D), lambda i: (i, 0)),
        out_shape=jax.ShapeDtypeStruct((n, D), jnp.float32),
    )(h, parts, w1, b1.reshape(1, D), w2, b2.reshape(1, D))


def _mlp_readout_body(h_ref, p_ref, w1_ref, b1_ref, w2_ref, b2_ref,
                      wo_ref, bo_ref, o_ref):
    z = h_ref[...] + p_ref[0] + p_ref[1]
    y = jnp.maximum(
        jnp.dot(z, w1_ref[...], preferred_element_type=jnp.float32) + b1_ref[...], 0.0)
    h3 = jnp.maximum(
        jnp.dot(y, w2_ref[...], preferred_element_type=jnp.float32) + b2_ref[...], 0.0)
    o_ref[...] = jnp.dot(h3, wo_ref[...], preferred_element_type=jnp.float32) + bo_ref[...]


def _mlp_readout(h, parts, w1, b1, w2, b2, wo, bo):
    n = h.shape[0]
    return pl.pallas_call(
        _mlp_readout_body,
        out_shape=jax.ShapeDtypeStruct((n, 1), jnp.float32),
    )(h, parts, w1, b1.reshape(1, D), w2, b2.reshape(1, D), wo, bo.reshape(1, 1))


def kernel(x_user, x_product, x_seller, x_brand, x_category, edge_index, type_emb,
           W1_0, b1_0, W2_0, b2_0, W1_1, b1_1, W2_1, b2_1, W1_2, b1_2, W2_2, b2_2,
           W_out, b_out):
    counts = [3000, 2500, 1500, 1500, 1500]
    x_all = jnp.concatenate([x_user, x_product, x_seller, x_brand, x_category], axis=0)
    te = jnp.concatenate(
        [jnp.broadcast_to(type_emb[i], (n, TE)) for i, n in enumerate(counts)], axis=0)
    h0 = jnp.concatenate(
        [x_all, te, jnp.zeros((N, 144 - D - TE), jnp.float32)], axis=1)
    w1_0p = jnp.concatenate([W1_0, jnp.zeros((144 - D - TE, D), jnp.float32)], axis=0)

    src = edge_index[0]
    dst = edge_index[1]
    z144 = jnp.zeros((BIGROWS, 144), jnp.float32)
    z128 = jnp.zeros((BIGROWS, 128), jnp.float32)

    p0 = _agg_144(h0, src, dst, z144)
    h1 = _mlp(h0, p0, w1_0p, b1_0, W2_0, b2_0)

    p1 = _agg_128(h1, src, dst, z128)
    h2 = _mlp(h1, p1, W1_1, b1_1, W2_1, b2_1)

    p2 = _agg_128(h2, src, dst, z128)
    h2s = lax.slice(h2, (3000, 0), (5500, D))
    p2s = lax.slice(p2, (0, 3000, 0), (NC, 5500, D))
    out = _mlp_readout(h2s, p2s, W1_2, b1_2, W2_2, b2_2, W_out, b_out)
    return out.reshape(2500)

# --- scband reference (transcript-rebuilt; emitter-appended) ---
"""Pipeline reference for scband-homogeneous-five-type-ginregressor-81552839016472 (READ-ONLY COPY).

The authoritative reference and input builder live on the scoring server;
editing this copy changes nothing except your own understanding.
"""

import jax, jax.numpy as jnp
import numpy as np

COUNTS = [3000, 2500, 1500, 1500, 1500]
N_TOTAL = 10000
E = 320000
D = 128
H = 128
TE = 8


def setup_inputs(seed: int = 0) -> dict:
    key = jax.random.key(seed)
    ks = jax.random.split(key, 16)
    inp = {}
    names = ["x_user", "x_product", "x_seller", "x_brand", "x_category"]
    for i, (nm, n) in enumerate(zip(names, COUNTS)):
        inp[nm] = jax.random.normal(ks[i], (n, D), dtype=jnp.float32)
    inp["edge_index"] = jax.random.randint(ks[5], (2, E), 0, N_TOTAL, dtype=jnp.int32)
    inp["type_emb"] = jax.random.normal(ks[6], (5, TE), dtype=jnp.float32) * 0.1

    def lin(k, fi, fo):
        return jax.random.normal(k, (fi, fo), dtype=jnp.float32) / np.sqrt(fi)

    inp["W1_0"] = lin(ks[7], D + TE, H); inp["b1_0"] = jnp.zeros((H,), jnp.float32)
    inp["W2_0"] = lin(ks[8], H, H);      inp["b2_0"] = jnp.zeros((H,), jnp.float32)
    inp["W1_1"] = lin(ks[9], H, H);      inp["b1_1"] = jnp.zeros((H,), jnp.float32)
    inp["W2_1"] = lin(ks[10], H, H);     inp["b2_1"] = jnp.zeros((H,), jnp.float32)
    inp["W1_2"] = lin(ks[11], H, H);     inp["b1_2"] = jnp.zeros((H,), jnp.float32)
    inp["W2_2"] = lin(ks[12], H, H);     inp["b2_2"] = jnp.zeros((H,), jnp.float32)
    inp["W_out"] = lin(ks[13], H, 1);    inp["b_out"] = jnp.zeros((1,), jnp.float32)
    return inp


def reference(x_user, x_product, x_seller, x_brand, x_category, edge_index, type_emb,
              W1_0, b1_0, W2_0, b2_0, W1_1, b1_1, W2_1, b2_1, W1_2, b1_2, W2_2, b2_2,
              W_out, b_out):
    # concat x_dict in node_type_order -> global node features
    x_all = jnp.concatenate([x_user, x_product, x_seller, x_brand, x_category], axis=0)
    node_type_id = jnp.concatenate([jnp.full((n,), i, dtype=jnp.int32) for i, n in enumerate(COUNTS)])
    te = jnp.take(type_emb, node_type_id, axis=0)
    h = jnp.concatenate([x_all, te], axis=-1)
    src, dst = edge_index[0], edge_index[1]
    layers = [(W1_0, b1_0, W2_0, b2_0), (W1_1, b1_1, W2_1, b2_1), (W1_2, b1_2, W2_2, b2_2)]
    for (W1, b1, W2, b2) in layers:
        # GINConv (eps=0): mlp(x + sum_{j in N(i)} x_j)
        msg = jnp.take(h, src, axis=0)
        agg = jax.ops.segment_sum(msg, dst, num_segments=N_TOTAL)
        z = h + agg
        z = jax.nn.relu(z @ W1 + b1) @ W2 + b2
        h = jax.nn.relu(z)
    out_all = (h @ W_out + b_out).squeeze(-1)
    offset_prod = COUNTS[0]  # 'product' is index 1 in node_type_order
    return out_all[offset_prod:offset_prod + COUNTS[1]]

if __name__ == "__main__":
    import jax
    _d = setup_inputs()
    print(jax.jit(kernel)(*tuple(_d.values())))

</pallas_src>

<mosaic_0001>
#map = affine_map<(d0, d1) -> (0, 0)>
#map1 = affine_map<(d0, d1) -> (0)>
#map2 = affine_map<(d0, d1) -> (0, 0, 0)>
module attributes {stable_mosaic.version = 14 : i64} {
  func.func @agg(%arg0: i32, %arg1: i32, %arg2: memref<10000x128xf32, #tpu.memory_space<hbm>>, %arg3: memref<320000xi32, #tpu.memory_space<hbm>>, %arg4: memref<320000xi32, #tpu.memory_space<hbm>>, %arg5: memref<640x128xf32, #tpu.memory_space<hbm>>, %arg6: memref<2x10000x128xf32, #tpu.memory_space<hbm>>, %arg7: memref<128xi32, #tpu.memory_space<vmem>>, %arg8: memref<128xi32, #tpu.memory_space<vmem>>, %arg9: memref<128xi32, #tpu.memory_space<vmem>>, %arg10: memref<128xi32, #tpu.memory_space<vmem>>, %arg11: memref<128x128xf32, #tpu.memory_space<vmem>>, %arg12: memref<128x128xf32, #tpu.memory_space<vmem>>, %arg13: memref<16xi32, #tpu.memory_space<vmem>>, %arg14: memref<16xi32, #tpu.memory_space<vmem>>, %arg15: memref<16x128xf32, #tpu.memory_space<vmem>>, %arg16: memref<10128x128xf32, #tpu.memory_space<vmem_shared>>, %arg17: memref<!tpu.dma_semaphore, #tpu.memory_space<semaphore_mem>>, %arg18: memref<!tpu.dma_semaphore, #tpu.memory_space<semaphore_mem>>) attributes {dimension_semantics = [#tpu.dimension_semantics<core_parallel>, #tpu.dimension_semantics<subcore_parallel>], iteration_bounds = array<i64: 2, 16>, scalar_prefetch = 0 : i64, scratch_operands = 12 : i64, tpu.core_type = #tpu.core_type<sc_vector_subcore>, window_params = [{transform_indices = #map}, {transform_indices = #map1}, {transform_indices = #map1}, {transform_indices = #map}, {transform_indices = #map2}]} {
    %mul3A = arith.constant 2 : i32
    %mul3A_0 = arith.muli %arg1, %mul3A : i32
    %add3A = arith.addi %mul3A_0, %arg0 : i32
    %lt3A = arith.constant 15 : i32
    %lt3A_1 = arith.cmpi slt, %arg1, %lt3A : i32
    %convert_element_type3A = arith.extui %lt3A_1 : i1 to i32
    %cond3A = arith.constant 0 : i32
    %cond3A_2 = arith.cmpi ne, %convert_element_type3A, %cond3A : i32
    scf.if %cond3A_2 {
      %mul3A_31 = arith.constant 640 : i32
      %mul3A_32 = arith.muli %arg1, %mul3A_31 : i32
      "tpu.region"() ({
        %run_scoped3A = tpu.sem_alloc : memref<!tpu.dma_semaphore, #tpu.memory_space<semaphore_mem>>
        %dma_start3A_33 = arith.constant 0 : i32
        %dma_start3A_34 = tpu.memref_slice %arg16[%mul3A_32, %dma_start3A_33] : memref<10128x128xf32, #tpu.memory_space<vmem_shared>> -> memref<640x128xf32, #tpu.memory_space<vmem_shared>>
        tpu.enqueue_dma source(%arg5 : memref<640x128xf32, #tpu.memory_space<hbm>>) target(%dma_start3A_34 : memref<640x128xf32, #tpu.memory_space<vmem_shared>>) target_semaphore(%run_scoped3A : memref<!tpu.dma_semaphore, #tpu.memory_space<semaphore_mem>>)
        %dma_wait3A_35 = arith.constant 0 : i32
        %dma_wait3A_36 = tpu.memref_slice %arg16[%mul3A_32, %dma_wait3A_35] : memref<10128x128xf32, #tpu.memory_space<vmem_shared>> -> memref<640x128xf32, #tpu.memory_space<vmem_shared>>
        tpu.wait_dma2 semaphore(%run_scoped3A : memref<!tpu.dma_semaphore, #tpu.memory_space<semaphore_mem>>) src(%arg5 : memref<640x128xf32, #tpu.memory_space<hbm>>) dst(%dma_wait3A_36 : memref<640x128xf32, #tpu.memory_space<vmem_shared>>)
        tpu.yield
      }) : () -> ()
    } else {
    }
    %eq3A = arith.constant 15 : i32
    %eq3A_3 = arith.cmpi eq, %arg1, %eq3A : i32
    %convert_element_type3A_4 = arith.extui %eq3A_3 : i1 to i32
    %cond3A_5 = arith.constant 0 : i32
    %cond3A_6 = arith.cmpi ne, %convert_element_type3A_4, %cond3A_5 : i32
    scf.if %cond3A_6 {
      "tpu.region"() ({
        %run_scoped3A = tpu.sem_alloc : memref<!tpu.dma_semaphore, #tpu.memory_space<semaphore_mem>>
        %dma_start3A_31 = arith.constant 9600 : i32
        %dma_start3A_32 = arith.constant 0 : i32
        %dma_start3A_33 = tpu.memref_slice %arg16[%dma_start3A_31, %dma_start3A_32] : memref<10128x128xf32, #tpu.memory_space<vmem_shared>> -> memref<528x128xf32, #tpu.memory_space<vmem_shared>>
        %dma_start3A_34 = arith.constant 0 : i32
        %dma_start3A_35 = arith.constant 0 : i32
        %dma_start3A_36 = tpu.memref_slice %arg5[%dma_start3A_34, %dma_start3A_35] : memref<640x128xf32, #tpu.memory_space<hbm>> -> memref<528x128xf32, #tpu.memory_space<hbm>>
        tpu.enqueue_dma source(%dma_start3A_36 : memref<528x128xf32, #tpu.memory_space<hbm>>) target(%dma_start3A_33 : memref<528x128xf32, #tpu.memory_space<vmem_shared>>) target_semaphore(%run_scoped3A : memref<!tpu.dma_semaphore, #tpu.memory_space<semaphore_mem>>)
        %dma_wait3A_37 = arith.constant 9600 : i32
        %dma_wait3A_38 = arith.constant 0 : i32
        %dma_wait3A_39 = tpu.memref_slice %arg16[%dma_wait3A_37, %dma_wait3A_38] : memref<10128x128xf32, #tpu.memory_space<vmem_shared>> -> memref<528x128xf32, #tpu.memory_space<vmem_shared>>
        %dma_wait3A_40 = arith.constant 0 : i32
        %dma_wait3A_41 = arith.constant 0 : i32
        %dma_wait3A_42 = tpu.memref_slice %arg5[%dma_wait3A_40, %dma_wait3A_41] : memref<640x128xf32, #tpu.memory_space<hbm>> -> memref<528x128xf32, #tpu.memory_space<hbm>>
        tpu.wait_dma2 semaphore(%run_scoped3A : memref<!tpu.dma_semaphore, #tpu.memory_space<semaphore_mem>>) src(%dma_wait3A_42 : memref<528x128xf32, #tpu.memory_space<hbm>>) dst(%dma_wait3A_39 : memref<528x128xf32, #tpu.memory_space<vmem_shared>>)
        tpu.yield
      }) : () -> ()
    } else {
    }
    %barrier3A = arith.constant 0 : index
    tpu.barrier barrier_id(%barrier3A)
    %mul3A_7 = arith.constant 10000 : i32
    %mul3A_8 = arith.muli %add3A, %mul3A_7 : i32
    %scan3A = arith.constant 0 : i32
    %scan3A_9 = arith.constant 0 : i32
    %scan3A_10 = arith.constant 39 : i32
    %scan3A_11 = arith.addi %scan3A_9, %scan3A_10 : i32
    %scan3A_12 = arith.constant 1 : i32
    scf.for %scan3A_31 = %scan3A_9 to %scan3A_11 step %scan3A_12  : i32 {
      %mul3A_32 = arith.constant 2 : i32
      %mul3A_33 = arith.muli %scan3A_31, %mul3A_32 : i32
      %add3A_34 = arith.constant 0 : i32
      %add3A_35 = arith.addi %mul3A_33, %add3A_34 : i32
      %mul3A_36 = arith.constant 128 : i32
      %mul3A_37 = arith.muli %add3A_35, %mul3A_36 : i32
      %add3A_38 = arith.addi %mul3A_8, %mul3A_37 : i32
      "tpu.region"() ({
        %run_scoped3A = tpu.sem_alloc : memref<!tpu.dma_semaphore, #tpu.memory_space<semaphore_mem>>
        %dma_start3A_58 = tpu.memref_slice %arg3[%add3A_38] : memref<320000xi32, #tpu.memory_space<hbm>> -> memref<128xi32, #tpu.memory_space<hbm>>
        %dma_start3A_59 = tpu.memref_slice %arg3[%add3A_38] : memref<320000xi32, #tpu.memory_space<hbm>> -> memref<128xi32, #tpu.memory_space<hbm>>
        tpu.enqueue_dma source(%dma_start3A_59 : memref<128xi32, #tpu.memory_space<hbm>>) target(%arg7 : memref<128xi32, #tpu.memory_space<vmem>>) target_semaphore(%run_scoped3A : memref<!tpu.dma_semaphore, #tpu.memory_space<semaphore_mem>>)
        %dma_wait3A_60 = tpu.memref_slice %arg3[%add3A_38] : memref<320000xi32, #tpu.memory_space<hbm>> -> memref<128xi32, #tpu.memory_space<hbm>>
        %dma_wait3A_61 = tpu.memref_slice %arg3[%add3A_38] : memref<320000xi32, #tpu.memory_space<hbm>> -> memref<128xi32, #tpu.memory_space<hbm>>
        tpu.wait_dma2 semaphore(%run_scoped3A : memref<!tpu.dma_semaphore, #tpu.memory_space<semaphore_mem>>) src(%dma_wait3A_61 : memref<128xi32, #tpu.memory_space<hbm>>) dst(%arg7 : memref<128xi32, #tpu.memory_space<vmem>>)
        tpu.yield
      }) : () -> ()
      "tpu.region"() ({
        %run_scoped3A = tpu.sem_alloc : memref<!tpu.dma_semaphore, #tpu.memory_space<semaphore_mem>>
        %dma_start3A_58 = tpu.memref_slice %arg4[%add3A_38] : memref<320000xi32, #tpu.memory_space<hbm>> -> memref<128xi32, #tpu.memory_space<hbm>>
        %dma_start3A_59 = tpu.memref_slice %arg4[%add3A_38] : memref<320000xi32, #tpu.memory_space<hbm>> -> memref<128xi32, #tpu.memory_space<hbm>>
        tpu.enqueue_dma source(%dma_start3A_59 : memref<128xi32, #tpu.memory_space<hbm>>) target(%arg9 : memref<128xi32, #tpu.memory_space<vmem>>) target_semaphore(%run_scoped3A : memref<!tpu.dma_semaphore, #tpu.memory_space<semaphore_mem>>)
        %dma_wait3A_60 = tpu.memref_slice %arg4[%add3A_38] : memref<320000xi32, #tpu.memory_space<hbm>> -> memref<128xi32, #tpu.memory_space<hbm>>
        %dma_wait3A_61 = tpu.memref_slice %arg4[%add3A_38] : memref<320000xi32, #tpu.memory_space<hbm>> -> memref<128xi32, #tpu.memory_space<hbm>>
        tpu.wait_dma2 semaphore(%run_scoped3A : memref<!tpu.dma_semaphore, #tpu.memory_space<semaphore_mem>>) src(%dma_wait3A_61 : memref<128xi32, #tpu.memory_space<hbm>>) dst(%arg9 : memref<128xi32, #tpu.memory_space<vmem>>)
        tpu.yield
      }) : () -> ()
      %dma_start3A_39 = arith.constant 0 : i32
      %dma_start3A_40 = arith.constant 0 : i32
      %dma_start3A_41 = tpu.memref_slice %arg2[%dma_start3A_39, %dma_start3A_40] : memref<10000x128xf32, #tpu.memory_space<hbm>> -> memref<10000x128xf32, #tpu.memory_space<hbm>>
      tpu.enqueue_indirect_dma source(%dma_start3A_41 : memref<10000x128xf32, #tpu.memory_space<hbm>>) target(%arg11 : memref<128x128xf32, #tpu.memory_space<vmem>>) offsets(%arg7 : memref<128xi32, #tpu.memory_space<vmem>>) semaphore(%arg17 : memref<!tpu.dma_semaphore, #tpu.memory_space<semaphore_mem>>)
      %mul3A_42 = arith.constant 2 : i32
      %mul3A_43 = arith.muli %scan3A_31, %mul3A_42 : i32
      %add3A_44 = arith.constant 1 : i32
      %add3A_45 = arith.addi %mul3A_43, %add3A_44 : i32
      %mul3A_46 = arith.constant 128 : i32
      %mul3A_47 = arith.muli %add3A_45, %mul3A_46 : i32
      %add3A_48 = arith.addi %mul3A_8, %mul3A_47 : i32
      "tpu.region"() ({
        %run_scoped3A = tpu.sem_alloc : memref<!tpu.dma_semaphore, #tpu.memory_space<semaphore_mem>>
        %dma_start3A_58 = tpu.memref_slice %arg3[%add3A_48] : memref<320000xi32, #tpu.memory_space<hbm>> -> memref<128xi32, #tpu.memory_space<hbm>>
        %dma_start3A_59 = tpu.memref_slice %arg3[%add3A_48] : memref<320000xi32, #tpu.memory_space<hbm>> -> memref<128xi32, #tpu.memory_space<hbm>>
        tpu.enqueue_dma source(%dma_start3A_59 : memref<128xi32, #tpu.memory_space<hbm>>) target(%arg8 : memref<128xi32, #tpu.memory_space<vmem>>) target_semaphore(%run_scoped3A : memref<!tpu.dma_semaphore, #tpu.memory_space<semaphore_mem>>)
        %dma_wait3A_60 = tpu.memref_slice %arg3[%add3A_48] : memref<320000xi32, #tpu.memory_space<hbm>> -> memref<128xi32, #tpu.memory_space<hbm>>
        %dma_wait3A_61 = tpu.memref_slice %arg3[%add3A_48] : memref<320000xi32, #tpu.memory_space<hbm>> -> memref<128xi32, #tpu.memory_space<hbm>>
        tpu.wait_dma2 semaphore(%run_scoped3A : memref<!tpu.dma_semaphore, #tpu.memory_space<semaphore_mem>>) src(%dma_wait3A_61 : memref<128xi32, #tpu.memory_space<hbm>>) dst(%arg8 : memref<128xi32, #tpu.memory_space<vmem>>)
        tpu.yield
      }) : () -> ()
      "tpu.region"() ({
        %run_scoped3A = tpu.sem_alloc : memref<!tpu.dma_semaphore, #tpu.memory_space<semaphore_mem>>
        %dma_start3A_58 = tpu.memref_slice %arg4[%add3A_48] : memref<320000xi32, #tpu.memory_space<hbm>> -> memref<128xi32, #tpu.memory_space<hbm>>
        %dma_start3A_59 = tpu.memref_slice %arg4[%add3A_48] : memref<320000xi32, #tpu.memory_space<hbm>> -> memref<128xi32, #tpu.memory_space<hbm>>
        tpu.enqueue_dma source(%dma_start3A_59 : memref<128xi32, #tpu.memory_space<hbm>>) target(%arg10 : memref<128xi32, #tpu.memory_space<vmem>>) target_semaphore(%run_scoped3A : memref<!tpu.dma_semaphore, #tpu.memory_space<semaphore_mem>>)
        %dma_wait3A_60 = tpu.memref_slice %arg4[%add3A_48] : memref<320000xi32, #tpu.memory_space<hbm>> -> memref<128xi32, #tpu.memory_space<hbm>>
        %dma_wait3A_61 = tpu.memref_slice %arg4[%add3A_48] : memref<320000xi32, #tpu.memory_space<hbm>> -> memref<128xi32, #tpu.memory_space<hbm>>
        tpu.wait_dma2 semaphore(%run_scoped3A : memref<!tpu.dma_semaphore, #tpu.memory_space<semaphore_mem>>) src(%dma_wait3A_61 : memref<128xi32, #tpu.memory_space<hbm>>) dst(%arg10 : memref<128xi32, #tpu.memory_space<vmem>>)
        tpu.yield
      }) : () -> ()
      %dma_start3A_49 = arith.constant 0 : i32
      %dma_start3A_50 = arith.constant 0 : i32
      %dma_start3A_51 = tpu.memref_slice %arg2[%dma_start3A_49, %dma_start3A_50] : memref<10000x128xf32, #tpu.memory_space<hbm>> -> memref<10000x128xf32, #tpu.memory_space<hbm>>
      tpu.enqueue_indirect_dma source(%dma_start3A_51 : memref<10000x128xf32, #tpu.memory_space<hbm>>) target(%arg12 : memref<128x128xf32, #tpu.memory_space<vmem>>) offsets(%arg8 : memref<128xi32, #tpu.memory_space<vmem>>) semaphore(%arg18 : memref<!tpu.dma_semaphore, #tpu.memory_space<semaphore_mem>>)
      %dma_wait3A_52 = arith.constant 0 : i32
      %dma_wait3A_53 = arith.constant 0 : i32
      %dma_wait3A_54 = tpu.memref_slice %arg2[%dma_wait3A_52, %dma_wait3A_53] : memref<10000x128xf32, #tpu.memory_space<hbm>> -> memref<10000x128xf32, #tpu.memory_space<hbm>>
      tpu.wait_indirect_dma semaphore(%arg17 : memref<!tpu.dma_semaphore, #tpu.memory_space<semaphore_mem>>) src(%dma_wait3A_54 : memref<10000x128xf32, #tpu.memory_space<hbm>>) dst(%arg11 : memref<128x128xf32, #tpu.memory_space<vmem>>)
      "tpu.region"() ({
        %run_scoped3A = tpu.sem_alloc : memref<!tpu.dma_semaphore, #tpu.memory_space<semaphore_mem>>
        %dma_start3A_58 = arith.constant 0 : i32
        %dma_start3A_59 = arith.constant 0 : i32
        %dma_start3A_60 = tpu.memref_slice %arg16[%dma_start3A_58, %dma_start3A_59] : memref<10128x128xf32, #tpu.memory_space<vmem_shared>> -> memref<10128x128xf32, #tpu.memory_space<vmem_shared>>
        tpu.enqueue_indirect_dma source(%arg11 : memref<128x128xf32, #tpu.memory_space<vmem>>) target(%dma_start3A_60 : memref<10128x128xf32, #tpu.memory_space<vmem_shared>>) offsets(%arg9 : memref<128xi32, #tpu.memory_space<vmem>>) semaphore(%run_scoped3A : memref<!tpu.dma_semaphore, #tpu.memory_space<semaphore_mem>>) {add = true}
        %dma_wait3A_61 = arith.constant 0 : i32
        %dma_wait3A_62 = arith.constant 0 : i32
        %dma_wait3A_63 = tpu.memref_slice %arg16[%dma_wait3A_61, %dma_wait3A_62] : memref<10128x128xf32, #tpu.memory_space<vmem_shared>> -> memref<10128x128xf32, #tpu.memory_space<vmem_shared>>
        tpu.wait_indirect_dma semaphore(%run_scoped3A : memref<!tpu.dma_semaphore, #tpu.memory_space<semaphore_mem>>) src(%arg11 : memref<128x128xf32, #tpu.memory_space<vmem>>) dst(%dma_wait3A_63 : memref<10128x128xf32, #tpu.memory_space<vmem_shared>>)
        tpu.yield
      }) : () -> ()
      %dma_wait3A_55 = arith.constant 0 : i32
      %dma_wait3A_56 = arith.constant 0 : i32
      %dma_wait3A_57 = tpu.memref_slice %arg2[%dma_wait3A_55, %dma_wait3A_56] : memref<10000x128xf32, #tpu.memory_space<hbm>> -> memref<10000x128xf32, #tpu.memory_space<hbm>>
      tpu.wait_indirect_dma semaphore(%arg18 : memref<!tpu.dma_semaphore, #tpu.memory_space<semaphore_mem>>) src(%dma_wait3A_57 : memref<10000x128xf32, #tpu.memory_space<hbm>>) dst(%arg12 : memref<128x128xf32, #tpu.memory_space<vmem>>)
      "tpu.region"() ({
        %run_scoped3A = tpu.sem_alloc : memref<!tpu.dma_semaphore, #tpu.memory_space<semaphore_mem>>
        %dma_start3A_58 = arith.constant 0 : i32
        %dma_start3A_59 = arith.constant 0 : i32
        %dma_start3A_60 = tpu.memref_slice %arg16[%dma_start3A_58, %dma_start3A_59] : memref<10128x128xf32, #tpu.memory_space<vmem_shared>> -> memref<10128x128xf32, #tpu.memory_space<vmem_shared>>
        tpu.enqueue_indirect_dma source(%arg12 : memref<128x128xf32, #tpu.memory_space<vmem>>) target(%dma_start3A_60 : memref<10128x128xf32, #tpu.memory_space<vmem_shared>>) offsets(%arg10 : memref<128xi32, #tpu.memory_space<vmem>>) semaphore(%run_scoped3A : memref<!tpu.dma_semaphore, #tpu.memory_space<semaphore_mem>>) {add = true}
        %dma_wait3A_61 = arith.constant 0 : i32
        %dma_wait3A_62 = arith.constant 0 : i32
        %dma_wait3A_63 = tpu.memref_slice %arg16[%dma_wait3A_61, %dma_wait3A_62] : memref<10128x128xf32, #tpu.memory_space<vmem_shared>> -> memref<10128x128xf32, #tpu.memory_space<vmem_shared>>
        tpu.wait_indirect_dma semaphore(%run_scoped3A : memref<!tpu.dma_semaphore, #tpu.memory_space<semaphore_mem>>) src(%arg12 : memref<128x128xf32, #tpu.memory_space<vmem>>) dst(%dma_wait3A_63 : memref<10128x128xf32, #tpu.memory_space<vmem_shared>>)
        tpu.yield
      }) : () -> ()
    }
    %scan3A_13 = arith.constant 39 : i32
    %add3A_14 = arith.constant 9984 : i32
    %add3A_15 = arith.addi %mul3A_8, %add3A_14 : i32
    "tpu.region"() ({
      %run_scoped3A = tpu.sem_alloc : memref<!tpu.dma_semaphore, #tpu.memory_space<semaphore_mem>>
      %dma_start3A_31 = tpu.memref_slice %arg3[%add3A_15] : memref<320000xi32, #tpu.memory_space<hbm>> -> memref<16xi32, #tpu.memory_space<hbm>>
      %dma_start3A_32 = tpu.memref_slice %arg3[%add3A_15] : memref<320000xi32, #tpu.memory_space<hbm>> -> memref<16xi32, #tpu.memory_space<hbm>>
      tpu.enqueue_dma source(%dma_start3A_32 : memref<16xi32, #tpu.memory_space<hbm>>) target(%arg13 : memref<16xi32, #tpu.memory_space<vmem>>) target_semaphore(%run_scoped3A : memref<!tpu.dma_semaphore, #tpu.memory_space<semaphore_mem>>)
      %dma_wait3A_33 = tpu.memref_slice %arg3[%add3A_15] : memref<320000xi32, #tpu.memory_space<hbm>> -> memref<16xi32, #tpu.memory_space<hbm>>
      %dma_wait3A_34 = tpu.memref_slice %arg3[%add3A_15] : memref<320000xi32, #tpu.memory_space<hbm>> -> memref<16xi32, #tpu.memory_space<hbm>>
      tpu.wait_dma2 semaphore(%run_scoped3A : memref<!tpu.dma_semaphore, #tpu.memory_space<semaphore_mem>>) src(%dma_wait3A_34 : memref<16xi32, #tpu.memory_space<hbm>>) dst(%arg13 : memref<16xi32, #tpu.memory_space<vmem>>)
      tpu.yield
    }) : () -> ()
    "tpu.region"() ({
      %run_scoped3A = tpu.sem_alloc : memref<!tpu.dma_semaphore, #tpu.memory_space<semaphore_mem>>
      %dma_start3A_31 = tpu.memref_slice %arg4[%add3A_15] : memref<320000xi32, #tpu.memory_space<hbm>> -> memref<16xi32, #tpu.memory_space<hbm>>
      %dma_start3A_32 = tpu.memref_slice %arg4[%add3A_15] : memref<320000xi32, #tpu.memory_space<hbm>> -> memref<16xi32, #tpu.memory_space<hbm>>
      tpu.enqueue_dma source(%dma_start3A_32 : memref<16xi32, #tpu.memory_space<hbm>>) target(%arg14 : memref<16xi32, #tpu.memory_space<vmem>>) target_semaphore(%run_scoped3A : memref<!tpu.dma_semaphore, #tpu.memory_space<semaphore_mem>>)
      %dma_wait3A_33 = tpu.memref_slice %arg4[%add3A_15] : memref<320000xi32, #tpu.memory_space<hbm>> -> memref<16xi32, #tpu.memory_space<hbm>>
      %dma_wait3A_34 = tpu.memref_slice %arg4[%add3A_15] : memref<320000xi32, #tpu.memory_space<hbm>> -> memref<16xi32, #tpu.memory_space<hbm>>
      tpu.wait_dma2 semaphore(%run_scoped3A : memref<!tpu.dma_semaphore, #tpu.memory_space<semaphore_mem>>) src(%dma_wait3A_34 : memref<16xi32, #tpu.memory_space<hbm>>) dst(%arg14 : memref<16xi32, #tpu.memory_space<vmem>>)
      tpu.yield
    }) : () -> ()
    %dma_start3A = arith.constant 0 : i32
    %dma_start3A_16 = arith.constant 0 : i32
    %dma_start3A_17 = tpu.memref_slice %arg2[%dma_start3A, %dma_start3A_16] : memref<10000x128xf32, #tpu.memory_space<hbm>> -> memref<10000x128xf32, #tpu.memory_space<hbm>>
    tpu.enqueue_indirect_dma source(%dma_start3A_17 : memref<10000x128xf32, #tpu.memory_space<hbm>>) target(%arg15 : memref<16x128xf32, #tpu.memory_space<vmem>>) offsets(%arg13 : memref<16xi32, #tpu.memory_space<vmem>>) semaphore(%arg17 : memref<!tpu.dma_semaphore, #tpu.memory_space<semaphore_mem>>)
    %dma_wait3A = arith.constant 0 : i32
    %dma_wait3A_18 = arith.constant 0 : i32
    %dma_wait3A_19 = tpu.memref_slice %arg2[%dma_wait3A, %dma_wait3A_18] : memref<10000x128xf32, #tpu.memory_space<hbm>> -> memref<10000x128xf32, #tpu.memory_space<hbm>>
    tpu.wait_indirect_dma semaphore(%arg17 : memref<!tpu.dma_semaphore, #tpu.memory_space<semaphore_mem>>) src(%dma_wait3A_19 : memref<10000x128xf32, #tpu.memory_space<hbm>>) dst(%arg15 : memref<16x128xf32, #tpu.memory_space<vmem>>)
    "tpu.region"() ({
      %run_scoped3A = tpu.sem_alloc : memref<!tpu.dma_semaphore, #tpu.memory_space<semaphore_mem>>
      %dma_start3A_31 = arith.constant 0 : i32
      %dma_start3A_32 = arith.constant 0 : i32
      %dma_start3A_33 = tpu.memref_slice %arg16[%dma_start3A_31, %dma_start3A_32] : memref<10128x128xf32, #tpu.memory_space<vmem_shared>> -> memref<10128x128xf32, #tpu.memory_space<vmem_shared>>
      tpu.enqueue_indirect_dma source(%arg15 : memref<16x128xf32, #tpu.memory_space<vmem>>) target(%dma_start3A_33 : memref<10128x128xf32, #tpu.memory_space<vmem_shared>>) offsets(%arg14 : memref<16xi32, #tpu.memory_space<vmem>>) semaphore(%run_scoped3A : memref<!tpu.dma_semaphore, #tpu.memory_space<semaphore_mem>>) {add = true}
      %dma_wait3A_34 = arith.constant 0 : i32
      %dma_wait3A_35 = arith.constant 0 : i32
      %dma_wait3A_36 = tpu.memref_slice %arg16[%dma_wait3A_34, %dma_wait3A_35] : memref<10128x128xf32, #tpu.memory_space<vmem_shared>> -> memref<10128x128xf32, #tpu.memory_space<vmem_shared>>
      tpu.wait_indirect_dma semaphore(%run_scoped3A : memref<!tpu.dma_semaphore, #tpu.memory_space<semaphore_mem>>) src(%arg15 : memref<16x128xf32, #tpu.memory_space<vmem>>) dst(%dma_wait3A_36 : memref<10128x128xf32, #tpu.memory_space<vmem_shared>>)
      tpu.yield
    }) : () -> ()
    %barrier3A_20 = arith.constant 0 : index
    tpu.barrier barrier_id(%barrier3A_20)
    %lt3A_21 = arith.constant 15 : i32
    %lt3A_22 = arith.cmpi slt, %arg1, %lt3A_21 : i32
    %convert_element_type3A_23 = arith.extui %lt3A_22 : i1 to i32
    %cond3A_24 = arith.constant 0 : i32
    %cond3A_25 = arith.cmpi ne, %convert_element_type3A_23, %cond3A_24 : i32
    scf.if %cond3A_25 {
      %mul3A_31 = arith.constant 640 : i32
      %mul3A_32 = arith.muli %arg1, %mul3A_31 : i32
      %mul3A_33 = arith.constant 640 : i32
      %mul3A_34 = arith.muli %arg1, %mul3A_33 : i32
      "tpu.region"() ({
        %run_scoped3A = tpu.sem_alloc : memref<!tpu.dma_semaphore, #tpu.memory_space<semaphore_mem>>
        %dma_start3A_35 = arith.constant 0 : i32
        %dma_start3A_36 = tpu.memref_slice %arg6[%arg0, %mul3A_34, %dma_start3A_35] : memref<2x10000x128xf32, #tpu.memory_space<hbm>> -> memref<1x640x128xf32, #tpu.memory_space<hbm>>
        %dma_start3A_37 = tpu.memref_squeeze %dma_start3A_36 : memref<1x640x128xf32, #tpu.memory_space<hbm>> -> memref<640x128xf32, #tpu.memory_space<hbm>>
        %dma_start3A_38 = arith.constant 0 : i32
        %dma_start3A_39 = tpu.memref_slice %arg16[%mul3A_32, %dma_start3A_38] : memref<10128x128xf32, #tpu.memory_space<vmem_shared>> -> memref<640x128xf32, #tpu.memory_space<vmem_shared>>
        tpu.enqueue_dma source(%dma_start3A_39 : memref<640x128xf32, #tpu.memory_space<vmem_shared>>) target(%dma_start3A_37 : memref<640x128xf32, #tpu.memory_space<hbm>>) target_semaphore(%run_scoped3A : memref<!tpu.dma_semaphore, #tpu.memory_space<semaphore_mem>>)
        %dma_wait3A_40 = arith.constant 0 : i32
        %dma_wait3A_41 = tpu.memref_slice %arg6[%arg0, %mul3A_34, %dma_wait3A_40] : memref<2x10000x128xf32, #tpu.memory_space<hbm>> -> memref<1x640x128xf32, #tpu.memory_space<hbm>>
        %dma_wait3A_42 = tpu.memref_squeeze %dma_wait3A_41 : memref<1x640x128xf32, #tpu.memory_space<hbm>> -> memref<640x128xf32, #tpu.memory_space<hbm>>
        %dma_wait3A_43 = arith.constant 0 : i32
        %dma_wait3A_44 = tpu.memref_slice %arg16[%mul3A_32, %dma_wait3A_43] : memref<10128x128xf32, #tpu.memory_space<vmem_shared>> -> memref<640x128xf32, #tpu.memory_space<vmem_shared>>
        tpu.wait_dma2 semaphore(%run_scoped3A : memref<!tpu.dma_semaphore, #tpu.memory_space<semaphore_mem>>) src(%dma_wait3A_44 : memref<640x128xf32, #tpu.memory_space<vmem_shared>>) dst(%dma_wait3A_42 : memref<640x128xf32, #tpu.memory_space<hbm>>)
        tpu.yield
      }) : () -> ()
    } else {
    }
    %eq3A_26 = arith.constant 15 : i32
    %eq3A_27 = arith.cmpi eq, %arg1, %eq3A_26 : i32
    %convert_element_type3A_28 = arith.extui %eq3A_27 : i1 to i32
    %cond3A_29 = arith.constant 0 : i32
    %cond3A_30 = arith.cmpi ne, %convert_element_type3A_28, %cond3A_29 : i32
    scf.if %cond3A_30 {
      "tpu.region"() ({
        %run_scoped3A = tpu.sem_alloc : memref<!tpu.dma_semaphore, #tpu.memory_space<semaphore_mem>>
        %dma_start3A_31 = arith.constant 9600 : i32
        %dma_start3A_32 = arith.constant 0 : i32
        %dma_start3A_33 = tpu.memref_slice %arg6[%arg0, %dma_start3A_31, %dma_start3A_32] : memref<2x10000x128xf32, #tpu.memory_space<hbm>> -> memref<1x400x128xf32, #tpu.memory_space<hbm>>
        %dma_start3A_34 = tpu.memref_squeeze %dma_start3A_33 : memref<1x400x128xf32, #tpu.memory_space<hbm>> -> memref<400x128xf32, #tpu.memory_space<hbm>>
        %dma_start3A_35 = arith.constant 9600 : i32
        %dma_start3A_36 = arith.constant 0 : i32
        %dma_start3A_37 = tpu.memref_slice %arg16[%dma_start3A_35, %dma_start3A_36] : memref<10128x128xf32, #tpu.memory_space<vmem_shared>> -> memref<400x128xf32, #tpu.memory_space<vmem_shared>>
        tpu.enqueue_dma source(%dma_start3A_37 : memref<400x128xf32, #tpu.memory_space<vmem_shared>>) target(%dma_start3A_34 : memref<400x128xf32, #tpu.memory_space<hbm>>) target_semaphore(%run_scoped3A : memref<!tpu.dma_semaphore, #tpu.memory_space<semaphore_mem>>)
        %dma_wait3A_38 = arith.constant 9600 : i32
        %dma_wait3A_39 = arith.constant 0 : i32
        %dma_wait3A_40 = tpu.memref_slice %arg6[%arg0, %dma_wait3A_38, %dma_wait3A_39] : memref<2x10000x128xf32, #tpu.memory_space<hbm>> -> memref<1x400x128xf32, #tpu.memory_space<hbm>>
        %dma_wait3A_41 = tpu.memref_squeeze %dma_wait3A_40 : memref<1x400x128xf32, #tpu.memory_space<hbm>> -> memref<400x128xf32, #tpu.memory_space<hbm>>
        %dma_wait3A_42 = arith.constant 9600 : i32
        %dma_wait3A_43 = arith.constant 0 : i32
        %dma_wait3A_44 = tpu.memref_slice %arg16[%dma_wait3A_42, %dma_wait3A_43] : memref<10128x128xf32, #tpu.memory_space<vmem_shared>> -> memref<400x128xf32, #tpu.memory_space<vmem_shared>>
        tpu.wait_dma2 semaphore(%run_scoped3A : memref<!tpu.dma_semaphore, #tpu.memory_space<semaphore_mem>>) src(%dma_wait3A_44 : memref<400x128xf32, #tpu.memory_space<vmem_shared>>) dst(%dma_wait3A_41 : memref<400x128xf32, #tpu.memory_space<hbm>>)
        tpu.yield
      }) : () -> ()
    } else {
    }
    return
  }
}

#map = affine_map<(d0, d1) -> (0, 0)>
#map1 = affine_map<(d0, d1) -> (0)>
#map2 = affine_map<(d0, d1) -> (0, 0, 0)>
module attributes {stable_mosaic.version = 14 : i64} {
  func.func @agg(%arg0: i32, %arg1: i32, %arg2: memref<10000x144xf32, #tpu.memory_space<hbm>>, %arg3: memref<320000xi32, #tpu.memory_space<hbm>>, %arg4: memref<320000xi32, #tpu.memory_space<hbm>>, %arg5: memref<640x144xf32, #tpu.memory_space<hbm>>, %arg6: memref<2x10000x144xf32, #tpu.memory_space<hbm>>, %arg7: memref<128xi32, #tpu.memory_space<vmem>>, %arg8: memref<128xi32, #tpu.memory_space<vmem>>, %arg9: memref<128xi32, #tpu.memory_space<vmem>>, %arg10: memref<128xi32, #tpu.memory_space<vmem>>, %arg11: memref<128x144xf32, #tpu.memory_space<vmem>>, %arg12: memref<128x144xf32, #tpu.memory_space<vmem>>, %arg13: memref<16xi32, #tpu.memory_space<vmem>>, %arg14: memref<16xi32, #tpu.memory_space<vmem>>, %arg15: memref<16x144xf32, #tpu.memory_space<vmem>>, %arg16: memref<10128x144xf32, #tpu.memory_space<vmem_shared>>, %arg17: memref<!tpu.dma_semaphore, #tpu.memory_space<semaphore_mem>>, %arg18: memref<!tpu.dma_semaphore, #tpu.memory_space<semaphore_mem>>) attributes {dimension_semantics = [#tpu.dimension_semantics<core_parallel>, #tpu.dimension_semantics<subcore_parallel>], iteration_bounds = array<i64: 2, 16>, scalar_prefetch = 0 : i64, scratch_operands = 12 : i64, tpu.core_type = #tpu.core_type<sc_vector_subcore>, window_params = [{transform_indices = #map}, {transform_indices = #map1}, {transform_indices = #map1}, {transform_indices = #map}, {transform_indices = #map2}]} {
    %mul3A = arith.constant 2 : i32
    %mul3A_0 = arith.muli %arg1, %mul3A : i32
    %add3A = arith.addi %mul3A_0, %arg0 : i32
    %lt3A = arith.constant 15 : i32
    %lt3A_1 = arith.cmpi slt, %arg1, %lt3A : i32
    %convert_element_type3A = arith.extui %lt3A_1 : i1 to i32
    %cond3A = arith.constant 0 : i32
    %cond3A_2 = arith.cmpi ne, %convert_element_type3A, %cond3A : i32
    scf.if %cond3A_2 {
      %mul3A_31 = arith.constant 640 : i32
      %mul3A_32 = arith.muli %arg1, %mul3A_31 : i32
      "tpu.region"() ({
        %run_scoped3A = tpu.sem_alloc : memref<!tpu.dma_semaphore, #tpu.memory_space<semaphore_mem>>
        %dma_start3A_33 = arith.constant 0 : i32
        %dma_start3A_34 = tpu.memref_slice %arg16[%mul3A_32, %dma_start3A_33] : memref<10128x144xf32, #tpu.memory_space<vmem_shared>> -> memref<640x144xf32, #tpu.memory_space<vmem_shared>>
        tpu.enqueue_dma source(%arg5 : memref<640x144xf32, #tpu.memory_space<hbm>>) target(%dma_start3A_34 : memref<640x144xf32, #tpu.memory_space<vmem_shared>>) target_semaphore(%run_scoped3A : memref<!tpu.dma_semaphore, #tpu.memory_space<semaphore_mem>>)
        %dma_wait3A_35 = arith.constant 0 : i32
        %dma_wait3A_36 = tpu.memref_slice %arg16[%mul3A_32, %dma_wait3A_35] : memref<10128x144xf32, #tpu.memory_space<vmem_shared>> -> memref<640x144xf32, #tpu.memory_space<vmem_shared>>
        tpu.wait_dma2 semaphore(%run_scoped3A : memref<!tpu.dma_semaphore, #tpu.memory_space<semaphore_mem>>) src(%arg5 : memref<640x144xf32, #tpu.memory_space<hbm>>) dst(%dma_wait3A_36 : memref<640x144xf32, #tpu.memory_space<vmem_shared>>)
        tpu.yield
      }) : () -> ()
    } else {
    }
    %eq3A = arith.constant 15 : i32
    %eq3A_3 = arith.cmpi eq, %arg1, %eq3A : i32
    %convert_element_type3A_4 = arith.extui %eq3A_3 : i1 to i32
    %cond3A_5 = arith.constant 0 : i32
    %cond3A_6 = arith.cmpi ne, %convert_element_type3A_4, %cond3A_5 : i32
    scf.if %cond3A_6 {
      "tpu.region"() ({
        %run_scoped3A = tpu.sem_alloc : memref<!tpu.dma_semaphore, #tpu.memory_space<semaphore_mem>>
        %dma_start3A_31 = arith.constant 9600 : i32
        %dma_start3A_32 = arith.constant 0 : i32
        %dma_start3A_33 = tpu.memref_slice %arg16[%dma_start3A_31, %dma_start3A_32] : memref<10128x144xf32, #tpu.memory_space<vmem_shared>> -> memref<528x144xf32, #tpu.memory_space<vmem_shared>>
        %dma_start3A_34 = arith.constant 0 : i32
        %dma_start3A_35 = arith.constant 0 : i32
        %dma_start3A_36 = tpu.memref_slice %arg5[%dma_start3A_34, %dma_start3A_35] : memref<640x144xf32, #tpu.memory_space<hbm>> -> memref<528x144xf32, #tpu.memory_space<hbm>>
        tpu.enqueue_dma source(%dma_start3A_36 : memref<528x144xf32, #tpu.memory_space<hbm>>) target(%dma_start3A_33 : memref<528x144xf32, #tpu.memory_space<vmem_shared>>) target_semaphore(%run_scoped3A : memref<!tpu.dma_semaphore, #tpu.memory_space<semaphore_mem>>)
        %dma_wait3A_37 = arith.constant 9600 : i32
        %dma_wait3A_38 = arith.constant 0 : i32
        %dma_wait3A_39 = tpu.memref_slice %arg16[%dma_wait3A_37, %dma_wait3A_38] : memref<10128x144xf32, #tpu.memory_space<vmem_shared>> -> memref<528x144xf32, #tpu.memory_space<vmem_shared>>
        %dma_wait3A_40 = arith.constant 0 : i32
        %dma_wait3A_41 = arith.constant 0 : i32
        %dma_wait3A_42 = tpu.memref_slice %arg5[%dma_wait3A_40, %dma_wait3A_41] : memref<640x144xf32, #tpu.memory_space<hbm>> -> memref<528x144xf32, #tpu.memory_space<hbm>>
        tpu.wait_dma2 semaphore(%run_scoped3A : memref<!tpu.dma_semaphore, #tpu.memory_space<semaphore_mem>>) src(%dma_wait3A_42 : memref<528x144xf32, #tpu.memory_space<hbm>>) dst(%dma_wait3A_39 : memref<528x144xf32, #tpu.memory_space<vmem_shared>>)
        tpu.yield
      }) : () -> ()
    } else {
    }
    %barrier3A = arith.constant 0 : index
    tpu.barrier barrier_id(%barrier3A)
    %mul3A_7 = arith.constant 10000 : i32
    %mul3A_8 = arith.muli %add3A, %mul3A_7 : i32
    %scan3A = arith.constant 0 : i32
    %scan3A_9 = arith.constant 0 : i32
    %scan3A_10 = arith.constant 39 : i32
    %scan3A_11 = arith.addi %scan3A_9, %scan3A_10 : i32
    %scan3A_12 = arith.constant 1 : i32
    scf.for %scan3A_31 = %scan3A_9 to %scan3A_11 step %scan3A_12  : i32 {
      %mul3A_32 = arith.constant 2 : i32
      %mul3A_33 = arith.muli %scan3A_31, %mul3A_32 : i32
      %add3A_34 = arith.constant 0 : i32
      %add3A_35 = arith.addi %mul3A_33, %add3A_34 : i32
      %mul3A_36 = arith.constant 128 : i32
      %mul3A_37 = arith.muli %add3A_35, %mul3A_36 : i32
      %add3A_38 = arith.addi %mul3A_8, %mul3A_37 : i32
      "tpu.region"() ({
        %run_scoped3A = tpu.sem_alloc : memref<!tpu.dma_semaphore, #tpu.memory_space<semaphore_mem>>
        %dma_start3A_58 = tpu.memref_slice %arg3[%add3A_38] : memref<320000xi32, #tpu.memory_space<hbm>> -> memref<128xi32, #tpu.memory_space<hbm>>
        %dma_start3A_59 = tpu.memref_slice %arg3[%add3A_38] : memref<320000xi32, #tpu.memory_space<hbm>> -> memref<128xi32, #tpu.memory_space<hbm>>
        tpu.enqueue_dma source(%dma_start3A_59 : memref<128xi32, #tpu.memory_space<hbm>>) target(%arg7 : memref<128xi32, #tpu.memory_space<vmem>>) target_semaphore(%run_scoped3A : memref<!tpu.dma_semaphore, #tpu.memory_space<semaphore_mem>>)
        %dma_wait3A_60 = tpu.memref_slice %arg3[%add3A_38] : memref<320000xi32, #tpu.memory_space<hbm>> -> memref<128xi32, #tpu.memory_space<hbm>>
        %dma_wait3A_61 = tpu.memref_slice %arg3[%add3A_38] : memref<320000xi32, #tpu.memory_space<hbm>> -> memref<128xi32, #tpu.memory_space<hbm>>
        tpu.wait_dma2 semaphore(%run_scoped3A : memref<!tpu.dma_semaphore, #tpu.memory_space<semaphore_mem>>) src(%dma_wait3A_61 : memref<128xi32, #tpu.memory_space<hbm>>) dst(%arg7 : memref<128xi32, #tpu.memory_space<vmem>>)
        tpu.yield
      }) : () -> ()
      "tpu.region"() ({
        %run_scoped3A = tpu.sem_alloc : memref<!tpu.dma_semaphore, #tpu.memory_space<semaphore_mem>>
        %dma_start3A_58 = tpu.memref_slice %arg4[%add3A_38] : memref<320000xi32, #tpu.memory_space<hbm>> -> memref<128xi32, #tpu.memory_space<hbm>>
        %dma_start3A_59 = tpu.memref_slice %arg4[%add3A_38] : memref<320000xi32, #tpu.memory_space<hbm>> -> memref<128xi32, #tpu.memory_space<hbm>>
        tpu.enqueue_dma source(%dma_start3A_59 : memref<128xi32, #tpu.memory_space<hbm>>) target(%arg9 : memref<128xi32, #tpu.memory_space<vmem>>) target_semaphore(%run_scoped3A : memref<!tpu.dma_semaphore, #tpu.memory_space<semaphore_mem>>)
        %dma_wait3A_60 = tpu.memref_slice %arg4[%add3A_38] : memref<320000xi32, #tpu.memory_space<hbm>> -> memref<128xi32, #tpu.memory_space<hbm>>
        %dma_wait3A_61 = tpu.memref_slice %arg4[%add3A_38] : memref<320000xi32, #tpu.memory_space<hbm>> -> memref<128xi32, #tpu.memory_space<hbm>>
        tpu.wait_dma2 semaphore(%run_scoped3A : memref<!tpu.dma_semaphore, #tpu.memory_space<semaphore_mem>>) src(%dma_wait3A_61 : memref<128xi32, #tpu.memory_space<hbm>>) dst(%arg9 : memref<128xi32, #tpu.memory_space<vmem>>)
        tpu.yield
      }) : () -> ()
      %dma_start3A_39 = arith.constant 0 : i32
      %dma_start3A_40 = arith.constant 0 : i32
      %dma_start3A_41 = tpu.memref_slice %arg2[%dma_start3A_39, %dma_start3A_40] : memref<10000x144xf32, #tpu.memory_space<hbm>> -> memref<10000x144xf32, #tpu.memory_space<hbm>>
      tpu.enqueue_indirect_dma source(%dma_start3A_41 : memref<10000x144xf32, #tpu.memory_space<hbm>>) target(%arg11 : memref<128x144xf32, #tpu.memory_space<vmem>>) offsets(%arg7 : memref<128xi32, #tpu.memory_space<vmem>>) semaphore(%arg17 : memref<!tpu.dma_semaphore, #tpu.memory_space<semaphore_mem>>)
      %mul3A_42 = arith.constant 2 : i32
      %mul3A_43 = arith.muli %scan3A_31, %mul3A_42 : i32
      %add3A_44 = arith.constant 1 : i32
      %add3A_45 = arith.addi %mul3A_43, %add3A_44 : i32
      %mul3A_46 = arith.constant 128 : i32
      %mul3A_47 = arith.muli %add3A_45, %mul3A_46 : i32
      %add3A_48 = arith.addi %mul3A_8, %mul3A_47 : i32
      "tpu.region"() ({
        %run_scoped3A = tpu.sem_alloc : memref<!tpu.dma_semaphore, #tpu.memory_space<semaphore_mem>>
        %dma_start3A_58 = tpu.memref_slice %arg3[%add3A_48] : memref<320000xi32, #tpu.memory_space<hbm>> -> memref<128xi32, #tpu.memory_space<hbm>>
        %dma_start3A_59 = tpu.memref_slice %arg3[%add3A_48] : memref<320000xi32, #tpu.memory_space<hbm>> -> memref<128xi32, #tpu.memory_space<hbm>>
        tpu.enqueue_dma source(%dma_start3A_59 : memref<128xi32, #tpu.memory_space<hbm>>) target(%arg8 : memref<128xi32, #tpu.memory_space<vmem>>) target_semaphore(%run_scoped3A : memref<!tpu.dma_semaphore, #tpu.memory_space<semaphore_mem>>)
        %dma_wait3A_60 = tpu.memref_slice %arg3[%add3A_48] : memref<320000xi32, #tpu.memory_space<hbm>> -> memref<128xi32, #tpu.memory_space<hbm>>
        %dma_wait3A_61 = tpu.memref_slice %arg3[%add3A_48] : memref<320000xi32, #tpu.memory_space<hbm>> -> memref<128xi32, #tpu.memory_space<hbm>>
        tpu.wait_dma2 semaphore(%run_scoped3A : memref<!tpu.dma_semaphore, #tpu.memory_space<semaphore_mem>>) src(%dma_wait3A_61 : memref<128xi32, #tpu.memory_space<hbm>>) dst(%arg8 : memref<128xi32, #tpu.memory_space<vmem>>)
        tpu.yield
      }) : () -> ()
      "tpu.region"() ({
        %run_scoped3A = tpu.sem_alloc : memref<!tpu.dma_semaphore, #tpu.memory_space<semaphore_mem>>
        %dma_start3A_58 = tpu.memref_slice %arg4[%add3A_48] : memref<320000xi32, #tpu.memory_space<hbm>> -> memref<128xi32, #tpu.memory_space<hbm>>
        %dma_start3A_59 = tpu.memref_slice %arg4[%add3A_48] : memref<320000xi32, #tpu.memory_space<hbm>> -> memref<128xi32, #tpu.memory_space<hbm>>
        tpu.enqueue_dma source(%dma_start3A_59 : memref<128xi32, #tpu.memory_space<hbm>>) target(%arg10 : memref<128xi32, #tpu.memory_space<vmem>>) target_semaphore(%run_scoped3A : memref<!tpu.dma_semaphore, #tpu.memory_space<semaphore_mem>>)
        %dma_wait3A_60 = tpu.memref_slice %arg4[%add3A_48] : memref<320000xi32, #tpu.memory_space<hbm>> -> memref<128xi32, #tpu.memory_space<hbm>>
        %dma_wait3A_61 = tpu.memref_slice %arg4[%add3A_48] : memref<320000xi32, #tpu.memory_space<hbm>> -> memref<128xi32, #tpu.memory_space<hbm>>
        tpu.wait_dma2 semaphore(%run_scoped3A : memref<!tpu.dma_semaphore, #tpu.memory_space<semaphore_mem>>) src(%dma_wait3A_61 : memref<128xi32, #tpu.memory_space<hbm>>) dst(%arg10 : memref<128xi32, #tpu.memory_space<vmem>>)
        tpu.yield
      }) : () -> ()
      %dma_start3A_49 = arith.constant 0 : i32
      %dma_start3A_50 = arith.constant 0 : i32
      %dma_start3A_51 = tpu.memref_slice %arg2[%dma_start3A_49, %dma_start3A_50] : memref<10000x144xf32, #tpu.memory_space<hbm>> -> memref<10000x144xf32, #tpu.memory_space<hbm>>
      tpu.enqueue_indirect_dma source(%dma_start3A_51 : memref<10000x144xf32, #tpu.memory_space<hbm>>) target(%arg12 : memref<128x144xf32, #tpu.memory_space<vmem>>) offsets(%arg8 : memref<128xi32, #tpu.memory_space<vmem>>) semaphore(%arg18 : memref<!tpu.dma_semaphore, #tpu.memory_space<semaphore_mem>>)
      %dma_wait3A_52 = arith.constant 0 : i32
      %dma_wait3A_53 = arith.constant 0 : i32
      %dma_wait3A_54 = tpu.memref_slice %arg2[%dma_wait3A_52, %dma_wait3A_53] : memref<10000x144xf32, #tpu.memory_space<hbm>> -> memref<10000x144xf32, #tpu.memory_space<hbm>>
      tpu.wait_indirect_dma semaphore(%arg17 : memref<!tpu.dma_semaphore, #tpu.memory_space<semaphore_mem>>) src(%dma_wait3A_54 : memref<10000x144xf32, #tpu.memory_space<hbm>>) dst(%arg11 : memref<128x144xf32, #tpu.memory_space<vmem>>)
      "tpu.region"() ({
        %run_scoped3A = tpu.sem_alloc : memref<!tpu.dma_semaphore, #tpu.memory_space<semaphore_mem>>
        %dma_start3A_58 = arith.constant 0 : i32
        %dma_start3A_59 = arith.constant 0 : i32
        %dma_start3A_60 = tpu.memref_slice %arg16[%dma_start3A_58, %dma_start3A_59] : memref<10128x144xf32, #tpu.memory_space<vmem_shared>> -> memref<10128x144xf32, #tpu.memory_space<vmem_shared>>
        tpu.enqueue_indirect_dma source(%arg11 : memref<128x144xf32, #tpu.memory_space<vmem>>) target(%dma_start3A_60 : memref<10128x144xf32, #tpu.memory_space<vmem_shared>>) offsets(%arg9 : memref<128xi32, #tpu.memory_space<vmem>>) semaphore(%run_scoped3A : memref<!tpu.dma_semaphore, #tpu.memory_space<semaphore_mem>>) {add = true}
        %dma_wait3A_61 = arith.constant 0 : i32
        %dma_wait3A_62 = arith.constant 0 : i32
        %dma_wait3A_63 = tpu.memref_slice %arg16[%dma_wait3A_61, %dma_wait3A_62] : memref<10128x144xf32, #tpu.memory_space<vmem_shared>> -> memref<10128x144xf32, #tpu.memory_space<vmem_shared>>
        tpu.wait_indirect_dma semaphore(%run_scoped3A : memref<!tpu.dma_semaphore, #tpu.memory_space<semaphore_mem>>) src(%arg11 : memref<128x144xf32, #tpu.memory_space<vmem>>) dst(%dma_wait3A_63 : memref<10128x144xf32, #tpu.memory_space<vmem_shared>>)
        tpu.yield
      }) : () -> ()
      %dma_wait3A_55 = arith.constant 0 : i32
      %dma_wait3A_56 = arith.constant 0 : i32
      %dma_wait3A_57 = tpu.memref_slice %arg2[%dma_wait3A_55, %dma_wait3A_56] : memref<10000x144xf32, #tpu.memory_space<hbm>> -> memref<10000x144xf32, #tpu.memory_space<hbm>>
      tpu.wait_indirect_dma semaphore(%arg18 : memref<!tpu.dma_semaphore, #tpu.memory_space<semaphore_mem>>) src(%dma_wait3A_57 : memref<10000x144xf32, #tpu.memory_space<hbm>>) dst(%arg12 : memref<128x144xf32, #tpu.memory_space<vmem>>)
      "tpu.region"() ({
        %run_scoped3A = tpu.sem_alloc : memref<!tpu.dma_semaphore, #tpu.memory_space<semaphore_mem>>
        %dma_start3A_58 = arith.constant 0 : i32
        %dma_start3A_59 = arith.constant 0 : i32
        %dma_start3A_60 = tpu.memref_slice %arg16[%dma_start3A_58, %dma_start3A_59] : memref<10128x144xf32, #tpu.memory_space<vmem_shared>> -> memref<10128x144xf32, #tpu.memory_space<vmem_shared>>
        tpu.enqueue_indirect_dma source(%arg12 : memref<128x144xf32, #tpu.memory_space<vmem>>) target(%dma_start3A_60 : memref<10128x144xf32, #tpu.memory_space<vmem_shared>>) offsets(%arg10 : memref<128xi32, #tpu.memory_space<vmem>>) semaphore(%run_scoped3A : memref<!tpu.dma_semaphore, #tpu.memory_space<semaphore_mem>>) {add = true}
        %dma_wait3A_61 = arith.constant 0 : i32
        %dma_wait3A_62 = arith.constant 0 : i32
        %dma_wait3A_63 = tpu.memref_slice %arg16[%dma_wait3A_61, %dma_wait3A_62] : memref<10128x144xf32, #tpu.memory_space<vmem_shared>> -> memref<10128x144xf32, #tpu.memory_space<vmem_shared>>
        tpu.wait_indirect_dma semaphore(%run_scoped3A : memref<!tpu.dma_semaphore, #tpu.memory_space<semaphore_mem>>) src(%arg12 : memref<128x144xf32, #tpu.memory_space<vmem>>) dst(%dma_wait3A_63 : memref<10128x144xf32, #tpu.memory_space<vmem_shared>>)
        tpu.yield
      }) : () -> ()
    }
    %scan3A_13 = arith.constant 39 : i32
    %add3A_14 = arith.constant 9984 : i32
    %add3A_15 = arith.addi %mul3A_8, %add3A_14 : i32
    "tpu.region"() ({
      %run_scoped3A = tpu.sem_alloc : memref<!tpu.dma_semaphore, #tpu.memory_space<semaphore_mem>>
      %dma_start3A_31 = tpu.memref_slice %arg3[%add3A_15] : memref<320000xi32, #tpu.memory_space<hbm>> -> memref<16xi32, #tpu.memory_space<hbm>>
      %dma_start3A_32 = tpu.memref_slice %arg3[%add3A_15] : memref<320000xi32, #tpu.memory_space<hbm>> -> memref<16xi32, #tpu.memory_space<hbm>>
      tpu.enqueue_dma source(%dma_start3A_32 : memref<16xi32, #tpu.memory_space<hbm>>) target(%arg13 : memref<16xi32, #tpu.memory_space<vmem>>) target_semaphore(%run_scoped3A : memref<!tpu.dma_semaphore, #tpu.memory_space<semaphore_mem>>)
      %dma_wait3A_33 = tpu.memref_slice %arg3[%add3A_15] : memref<320000xi32, #tpu.memory_space<hbm>> -> memref<16xi32, #tpu.memory_space<hbm>>
      %dma_wait3A_34 = tpu.memref_slice %arg3[%add3A_15] : memref<320000xi32, #tpu.memory_space<hbm>> -> memref<16xi32, #tpu.memory_space<hbm>>
      tpu.wait_dma2 semaphore(%run_scoped3A : memref<!tpu.dma_semaphore, #tpu.memory_space<semaphore_mem>>) src(%dma_wait3A_34 : memref<16xi32, #tpu.memory_space<hbm>>) dst(%arg13 : memref<16xi32, #tpu.memory_space<vmem>>)
      tpu.yield
    }) : () -> ()
    "tpu.region"() ({
      %run_scoped3A = tpu.sem_alloc : memref<!tpu.dma_semaphore, #tpu.memory_space<semaphore_mem>>
      %dma_start3A_31 = tpu.memref_slice %arg4[%add3A_15] : memref<320000xi32, #tpu.memory_space<hbm>> -> memref<16xi32, #tpu.memory_space<hbm>>
      %dma_start3A_32 = tpu.memref_slice %arg4[%add3A_15] : memref<320000xi32, #tpu.memory_space<hbm>> -> memref<16xi32, #tpu.memory_space<hbm>>
      tpu.enqueue_dma source(%dma_start3A_32 : memref<16xi32, #tpu.memory_space<hbm>>) target(%arg14 : memref<16xi32, #tpu.memory_space<vmem>>) target_semaphore(%run_scoped3A : memref<!tpu.dma_semaphore, #tpu.memory_space<semaphore_mem>>)
      %dma_wait3A_33 = tpu.memref_slice %arg4[%add3A_15] : memref<320000xi32, #tpu.memory_space<hbm>> -> memref<16xi32, #tpu.memory_space<hbm>>
      %dma_wait3A_34 = tpu.memref_slice %arg4[%add3A_15] : memref<320000xi32, #tpu.memory_space<hbm>> -> memref<16xi32, #tpu.memory_space<hbm>>
      tpu.wait_dma2 semaphore(%run_scoped3A : memref<!tpu.dma_semaphore, #tpu.memory_space<semaphore_mem>>) src(%dma_wait3A_34 : memref<16xi32, #tpu.memory_space<hbm>>) dst(%arg14 : memref<16xi32, #tpu.memory_space<vmem>>)
      tpu.yield
    }) : () -> ()
    %dma_start3A = arith.constant 0 : i32
    %dma_start3A_16 = arith.constant 0 : i32
    %dma_start3A_17 = tpu.memref_slice %arg2[%dma_start3A, %dma_start3A_16] : memref<10000x144xf32, #tpu.memory_space<hbm>> -> memref<10000x144xf32, #tpu.memory_space<hbm>>
    tpu.enqueue_indirect_dma source(%dma_start3A_17 : memref<10000x144xf32, #tpu.memory_space<hbm>>) target(%arg15 : memref<16x144xf32, #tpu.memory_space<vmem>>) offsets(%arg13 : memref<16xi32, #tpu.memory_space<vmem>>) semaphore(%arg17 : memref<!tpu.dma_semaphore, #tpu.memory_space<semaphore_mem>>)
    %dma_wait3A = arith.constant 0 : i32
    %dma_wait3A_18 = arith.constant 0 : i32
    %dma_wait3A_19 = tpu.memref_slice %arg2[%dma_wait3A, %dma_wait3A_18] : memref<10000x144xf32, #tpu.memory_space<hbm>> -> memref<10000x144xf32, #tpu.memory_space<hbm>>
    tpu.wait_indirect_dma semaphore(%arg17 : memref<!tpu.dma_semaphore, #tpu.memory_space<semaphore_mem>>) src(%dma_wait3A_19 : memref<10000x144xf32, #tpu.memory_space<hbm>>) dst(%arg15 : memref<16x144xf32, #tpu.memory_space<vmem>>)
    "tpu.region"() ({
      %run_scoped3A = tpu.sem_alloc : memref<!tpu.dma_semaphore, #tpu.memory_space<semaphore_mem>>
      %dma_start3A_31 = arith.constant 0 : i32
      %dma_start3A_32 = arith.constant 0 : i32
      %dma_start3A_33 = tpu.memref_slice %arg16[%dma_start3A_31, %dma_start3A_32] : memref<10128x144xf32, #tpu.memory_space<vmem_shared>> -> memref<10128x144xf32, #tpu.memory_space<vmem_shared>>
      tpu.enqueue_indirect_dma source(%arg15 : memref<16x144xf32, #tpu.memory_space<vmem>>) target(%dma_start3A_33 : memref<10128x144xf32, #tpu.memory_space<vmem_shared>>) offsets(%arg14 : memref<16xi32, #tpu.memory_space<vmem>>) semaphore(%run_scoped3A : memref<!tpu.dma_semaphore, #tpu.memory_space<semaphore_mem>>) {add = true}
      %dma_wait3A_34 = arith.constant 0 : i32
      %dma_wait3A_35 = arith.constant 0 : i32
      %dma_wait3A_36 = tpu.memref_slice %arg16[%dma_wait3A_34, %dma_wait3A_35] : memref<10128x144xf32, #tpu.memory_space<vmem_shared>> -> memref<10128x144xf32, #tpu.memory_space<vmem_shared>>
      tpu.wait_indirect_dma semaphore(%run_scoped3A : memref<!tpu.dma_semaphore, #tpu.memory_space<semaphore_mem>>) src(%arg15 : memref<16x144xf32, #tpu.memory_space<vmem>>) dst(%dma_wait3A_36 : memref<10128x144xf32, #tpu.memory_space<vmem_shared>>)
      tpu.yield
    }) : () -> ()
    %barrier3A_20 = arith.constant 0 : index
    tpu.barrier barrier_id(%barrier3A_20)
    %lt3A_21 = arith.constant 15 : i32
    %lt3A_22 = arith.cmpi slt, %arg1, %lt3A_21 : i32
    %convert_element_type3A_23 = arith.extui %lt3A_22 : i1 to i32
    %cond3A_24 = arith.constant 0 : i32
    %cond3A_25 = arith.cmpi ne, %convert_element_type3A_23, %cond3A_24 : i32
    scf.if %cond3A_25 {
      %mul3A_31 = arith.constant 640 : i32
      %mul3A_32 = arith.muli %arg1, %mul3A_31 : i32
      %mul3A_33 = arith.constant 640 : i32
      %mul3A_34 = arith.muli %arg1, %mul3A_33 : i32
      "tpu.region"() ({
        %run_scoped3A = tpu.sem_alloc : memref<!tpu.dma_semaphore, #tpu.memory_space<semaphore_mem>>
        %dma_start3A_35 = arith.constant 0 : i32
        %dma_start3A_36 = tpu.memref_slice %arg6[%arg0, %mul3A_34, %dma_start3A_35] : memref<2x10000x144xf32, #tpu.memory_space<hbm>> -> memref<1x640x144xf32, #tpu.memory_space<hbm>>
        %dma_start3A_37 = tpu.memref_squeeze %dma_start3A_36 : memref<1x640x144xf32, #tpu.memory_space<hbm>> -> memref<640x144xf32, #tpu.memory_space<hbm>>
        %dma_start3A_38 = arith.constant 0 : i32
        %dma_start3A_39 = tpu.memref_slice %arg16[%mul3A_32, %dma_start3A_38] : memref<10128x144xf32, #tpu.memory_space<vmem_shared>> -> memref<640x144xf32, #tpu.memory_space<vmem_shared>>
        tpu.enqueue_dma source(%dma_start3A_39 : memref<640x144xf32, #tpu.memory_space<vmem_shared>>) target(%dma_start3A_37 : memref<640x144xf32, #tpu.memory_space<hbm>>) target_semaphore(%run_scoped3A : memref<!tpu.dma_semaphore, #tpu.memory_space<semaphore_mem>>)
        %dma_wait3A_40 = arith.constant 0 : i32
        %dma_wait3A_41 = tpu.memref_slice %arg6[%arg0, %mul3A_34, %dma_wait3A_40] : memref<2x10000x144xf32, #tpu.memory_space<hbm>> -> memref<1x640x144xf32, #tpu.memory_space<hbm>>
        %dma_wait3A_42 = tpu.memref_squeeze %dma_wait3A_41 : memref<1x640x144xf32, #tpu.memory_space<hbm>> -> memref<640x144xf32, #tpu.memory_space<hbm>>
        %dma_wait3A_43 = arith.constant 0 : i32
        %dma_wait3A_44 = tpu.memref_slice %arg16[%mul3A_32, %dma_wait3A_43] : memref<10128x144xf32, #tpu.memory_space<vmem_shared>> -> memref<640x144xf32, #tpu.memory_space<vmem_shared>>
        tpu.wait_dma2 semaphore(%run_scoped3A : memref<!tpu.dma_semaphore, #tpu.memory_space<semaphore_mem>>) src(%dma_wait3A_44 : memref<640x144xf32, #tpu.memory_space<vmem_shared>>) dst(%dma_wait3A_42 : memref<640x144xf32, #tpu.memory_space<hbm>>)
        tpu.yield
      }) : () -> ()
    } else {
    }
    %eq3A_26 = arith.constant 15 : i32
    %eq3A_27 = arith.cmpi eq, %arg1, %eq3A_26 : i32
    %convert_element_type3A_28 = arith.extui %eq3A_27 : i1 to i32
    %cond3A_29 = arith.constant 0 : i32
    %cond3A_30 = arith.cmpi ne, %convert_element_type3A_28, %cond3A_29 : i32
    scf.if %cond3A_30 {
      "tpu.region"() ({
        %run_scoped3A = tpu.sem_alloc : memref<!tpu.dma_semaphore, #tpu.memory_space<semaphore_mem>>
        %dma_start3A_31 = arith.constant 9600 : i32
        %dma_start3A_32 = arith.constant 0 : i32
        %dma_start3A_33 = tpu.memref_slice %arg6[%arg0, %dma_start3A_31, %dma_start3A_32] : memref<2x10000x144xf32, #tpu.memory_space<hbm>> -> memref<1x400x144xf32, #tpu.memory_space<hbm>>
        %dma_start3A_34 = tpu.memref_squeeze %dma_start3A_33 : memref<1x400x144xf32, #tpu.memory_space<hbm>> -> memref<400x144xf32, #tpu.memory_space<hbm>>
        %dma_start3A_35 = arith.constant 9600 : i32
        %dma_start3A_36 = arith.constant 0 : i32
        %dma_start3A_37 = tpu.memref_slice %arg16[%dma_start3A_35, %dma_start3A_36] : memref<10128x144xf32, #tpu.memory_space<vmem_shared>> -> memref<400x144xf32, #tpu.memory_space<vmem_shared>>
        tpu.enqueue_dma source(%dma_start3A_37 : memref<400x144xf32, #tpu.memory_space<vmem_shared>>) target(%dma_start3A_34 : memref<400x144xf32, #tpu.memory_space<hbm>>) target_semaphore(%run_scoped3A : memref<!tpu.dma_semaphore, #tpu.memory_space<semaphore_mem>>)
        %dma_wait3A_38 = arith.constant 9600 : i32
        %dma_wait3A_39 = arith.constant 0 : i32
        %dma_wait3A_40 = tpu.memref_slice %arg6[%arg0, %dma_wait3A_38, %dma_wait3A_39] : memref<2x10000x144xf32, #tpu.memory_space<hbm>> -> memref<1x400x144xf32, #tpu.memory_space<hbm>>
        %dma_wait3A_41 = tpu.memref_squeeze %dma_wait3A_40 : memref<1x400x144xf32, #tpu.memory_space<hbm>> -> memref<400x144xf32, #tpu.memory_space<hbm>>
        %dma_wait3A_42 = arith.constant 9600 : i32
        %dma_wait3A_43 = arith.constant 0 : i32
        %dma_wait3A_44 = tpu.memref_slice %arg16[%dma_wait3A_42, %dma_wait3A_43] : memref<10128x144xf32, #tpu.memory_space<vmem_shared>> -> memref<400x144xf32, #tpu.memory_space<vmem_shared>>
        tpu.wait_dma2 semaphore(%run_scoped3A : memref<!tpu.dma_semaphore, #tpu.memory_space<semaphore_mem>>) src(%dma_wait3A_44 : memref<400x144xf32, #tpu.memory_space<vmem_shared>>) dst(%dma_wait3A_41 : memref<400x144xf32, #tpu.memory_space<hbm>>)
        tpu.yield
      }) : () -> ()
    } else {
    }
    return
  }
}

#map = affine_map<(d0, d1) -> (0, 0)>
#map1 = affine_map<(d0, d1) -> (0)>
#map2 = affine_map<(d0, d1) -> (0, 0, 0)>
module attributes {stable_mosaic.version = 14 : i64} {
  func.func @agg(%arg0: i32, %arg1: i32, %arg2: memref<10000x128xf32, #tpu.memory_space<hbm>>, %arg3: memref<320000xi32, #tpu.memory_space<hbm>>, %arg4: memref<320000xi32, #tpu.memory_space<hbm>>, %arg5: memref<640x128xf32, #tpu.memory_space<hbm>>, %arg6: memref<2x10000x128xf32, #tpu.memory_space<hbm>>, %arg7: memref<128xi32, #tpu.memory_space<vmem>>, %arg8: memref<128xi32, #tpu.memory_space<vmem>>, %arg9: memref<128xi32, #tpu.memory_space<vmem>>, %arg10: memref<128xi32, #tpu.memory_space<vmem>>, %arg11: memref<128x128xf32, #tpu.memory_space<vmem>>, %arg12: memref<128x128xf32, #tpu.memory_space<vmem>>, %arg13: memref<16xi32, #tpu.memory_space<vmem>>, %arg14: memref<16xi32, #tpu.memory_space<vmem>>, %arg15: memref<16x128xf32, #tpu.memory_space<vmem>>, %arg16: memref<10128x128xf32, #tpu.memory_space<vmem_shared>>, %arg17: memref<!tpu.dma_semaphore, #tpu.memory_space<semaphore_mem>>, %arg18: memref<!tpu.dma_semaphore, #tpu.memory_space<semaphore_mem>>) attributes {dimension_semantics = [#tpu.dimension_semantics<core_parallel>, #tpu.dimension_semantics<subcore_parallel>], iteration_bounds = array<i64: 2, 16>, scalar_prefetch = 0 : i64, scratch_operands = 12 : i64, tpu.core_type = #tpu.core_type<sc_vector_subcore>, window_params = [{transform_indices = #map}, {transform_indices = #map1}, {transform_indices = #map1}, {transform_indices = #map}, {transform_indices = #map2}]} {
    %mul3A = arith.constant 2 : i32
    %mul3A_0 = arith.muli %arg1, %mul3A : i32
    %add3A = arith.addi %mul3A_0, %arg0 : i32
    %lt3A = arith.constant 15 : i32
    %lt3A_1 = arith.cmpi slt, %arg1, %lt3A : i32
    %convert_element_type3A = arith.extui %lt3A_1 : i1 to i32
    %cond3A = arith.constant 0 : i32
    %cond3A_2 = arith.cmpi ne, %convert_element_type3A, %cond3A : i32
    scf.if %cond3A_2 {
      %mul3A_31 = arith.constant 640 : i32
      %mul3A_32 = arith.muli %arg1, %mul3A_31 : i32
      "tpu.region"() ({
        %run_scoped3A = tpu.sem_alloc : memref<!tpu.dma_semaphore, #tpu.memory_space<semaphore_mem>>
        %dma_start3A_33 = arith.constant 0 : i32
        %dma_start3A_34 = tpu.memref_slice %arg16[%mul3A_32, %dma_start3A_33] : memref<10128x128xf32, #tpu.memory_space<vmem_shared>> -> memref<640x128xf32, #tpu.memory_space<vmem_shared>>
        tpu.enqueue_dma source(%arg5 : memref<640x128xf32, #tpu.memory_space<hbm>>) target(%dma_start3A_34 : memref<640x128xf32, #tpu.memory_space<vmem_shared>>) target_semaphore(%run_scoped3A : memref<!tpu.dma_semaphore, #tpu.memory_space<semaphore_mem>>)
        %dma_wait3A_35 = arith.constant 0 : i32
        %dma_wait3A_36 = tpu.memref_slice %arg16[%mul3A_32, %dma_wait3A_35] : memref<10128x128xf32, #tpu.memory_space<vmem_shared>> -> memref<640x128xf32, #tpu.memory_space<vmem_shared>>
        tpu.wait_dma2 semaphore(%run_scoped3A : memref<!tpu.dma_semaphore, #tpu.memory_space<semaphore_mem>>) src(%arg5 : memref<640x128xf32, #tpu.memory_space<hbm>>) dst(%dma_wait3A_36 : memref<640x128xf32, #tpu.memory_space<vmem_shared>>)
        tpu.yield
      }) : () -> ()
    } else {
    }
    %eq3A = arith.constant 15 : i32
    %eq3A_3 = arith.cmpi eq, %arg1, %eq3A : i32
    %convert_element_type3A_4 = arith.extui %eq3A_3 : i1 to i32
    %cond3A_5 = arith.constant 0 : i32
    %cond3A_6 = arith.cmpi ne, %convert_element_type3A_4, %cond3A_5 : i32
    scf.if %cond3A_6 {
      "tpu.region"() ({
        %run_scoped3A = tpu.sem_alloc : memref<!tpu.dma_semaphore, #tpu.memory_space<semaphore_mem>>
        %dma_start3A_31 = arith.constant 9600 : i32
        %dma_start3A_32 = arith.constant 0 : i32
        %dma_start3A_33 = tpu.memref_slice %arg16[%dma_start3A_31, %dma_start3A_32] : memref<10128x128xf32, #tpu.memory_space<vmem_shared>> -> memref<528x128xf32, #tpu.memory_space<vmem_shared>>
        %dma_start3A_34 = arith.constant 0 : i32
        %dma_start3A_35 = arith.constant 0 : i32
        %dma_start3A_36 = tpu.memref_slice %arg5[%dma_start3A_34, %dma_start3A_35] : memref<640x128xf32, #tpu.memory_space<hbm>> -> memref<528x128xf32, #tpu.memory_space<hbm>>
        tpu.enqueue_dma source(%dma_start3A_36 : memref<528x128xf32, #tpu.memory_space<hbm>>) target(%dma_start3A_33 : memref<528x128xf32, #tpu.memory_space<vmem_shared>>) target_semaphore(%run_scoped3A : memref<!tpu.dma_semaphore, #tpu.memory_space<semaphore_mem>>)
        %dma_wait3A_37 = arith.constant 9600 : i32
        %dma_wait3A_38 = arith.constant 0 : i32
        %dma_wait3A_39 = tpu.memref_slice %arg16[%dma_wait3A_37, %dma_wait3A_38] : memref<10128x128xf32, #tpu.memory_space<vmem_shared>> -> memref<528x128xf32, #tpu.memory_space<vmem_shared>>
        %dma_wait3A_40 = arith.constant 0 : i32
        %dma_wait3A_41 = arith.constant 0 : i32
        %dma_wait3A_42 = tpu.memref_slice %arg5[%dma_wait3A_40, %dma_wait3A_41] : memref<640x128xf32, #tpu.memory_space<hbm>> -> memref<528x128xf32, #tpu.memory_space<hbm>>
        tpu.wait_dma2 semaphore(%run_scoped3A : memref<!tpu.dma_semaphore, #tpu.memory_space<semaphore_mem>>) src(%dma_wait3A_42 : memref<528x128xf32, #tpu.memory_space<hbm>>) dst(%dma_wait3A_39 : memref<528x128xf32, #tpu.memory_space<vmem_shared>>)
        tpu.yield
      }) : () -> ()
    } else {
    }
    %barrier3A = arith.constant 0 : index
    tpu.barrier barrier_id(%barrier3A)
    %mul3A_7 = arith.constant 10000 : i32
    %mul3A_8 = arith.muli %add3A, %mul3A_7 : i32
    %scan3A = arith.constant 0 : i32
    %scan3A_9 = arith.constant 0 : i32
    %scan3A_10 = arith.constant 39 : i32
    %scan3A_11 = arith.addi %scan3A_9, %scan3A_10 : i32
    %scan3A_12 = arith.constant 1 : i32
    scf.for %scan3A_31 = %scan3A_9 to %scan3A_11 step %scan3A_12  : i32 {
      %mul3A_32 = arith.constant 2 : i32
      %mul3A_33 = arith.muli %scan3A_31, %mul3A_32 : i32
      %add3A_34 = arith.constant 0 : i32
      %add3A_35 = arith.addi %mul3A_33, %add3A_34 : i32
      %mul3A_36 = arith.constant 128 : i32
      %mul3A_37 = arith.muli %add3A_35, %mul3A_36 : i32
      %add3A_38 = arith.addi %mul3A_8, %mul3A_37 : i32
      "tpu.region"() ({
        %run_scoped3A = tpu.sem_alloc : memref<!tpu.dma_semaphore, #tpu.memory_space<semaphore_mem>>
        %dma_start3A_58 = tpu.memref_slice %arg3[%add3A_38] : memref<320000xi32, #tpu.memory_space<hbm>> -> memref<128xi32, #tpu.memory_space<hbm>>
        %dma_start3A_59 = tpu.memref_slice %arg3[%add3A_38] : memref<320000xi32, #tpu.memory_space<hbm>> -> memref<128xi32, #tpu.memory_space<hbm>>
        tpu.enqueue_dma source(%dma_start3A_59 : memref<128xi32, #tpu.memory_space<hbm>>) target(%arg7 : memref<128xi32, #tpu.memory_space<vmem>>) target_semaphore(%run_scoped3A : memref<!tpu.dma_semaphore, #tpu.memory_space<semaphore_mem>>)
        %dma_wait3A_60 = tpu.memref_slice %arg3[%add3A_38] : memref<320000xi32, #tpu.memory_space<hbm>> -> memref<128xi32, #tpu.memory_space<hbm>>
        %dma_wait3A_61 = tpu.memref_slice %arg3[%add3A_38] : memref<320000xi32, #tpu.memory_space<hbm>> -> memref<128xi32, #tpu.memory_space<hbm>>
        tpu.wait_dma2 semaphore(%run_scoped3A : memref<!tpu.dma_semaphore, #tpu.memory_space<semaphore_mem>>) src(%dma_wait3A_61 : memref<128xi32, #tpu.memory_space<hbm>>) dst(%arg7 : memref<128xi32, #tpu.memory_space<vmem>>)
        tpu.yield
      }) : () -> ()
      "tpu.region"() ({
        %run_scoped3A = tpu.sem_alloc : memref<!tpu.dma_semaphore, #tpu.memory_space<semaphore_mem>>
        %dma_start3A_58 = tpu.memref_slice %arg4[%add3A_38] : memref<320000xi32, #tpu.memory_space<hbm>> -> memref<128xi32, #tpu.memory_space<hbm>>
        %dma_start3A_59 = tpu.memref_slice %arg4[%add3A_38] : memref<320000xi32, #tpu.memory_space<hbm>> -> memref<128xi32, #tpu.memory_space<hbm>>
        tpu.enqueue_dma source(%dma_start3A_59 : memref<128xi32, #tpu.memory_space<hbm>>) target(%arg9 : memref<128xi32, #tpu.memory_space<vmem>>) target_semaphore(%run_scoped3A : memref<!tpu.dma_semaphore, #tpu.memory_space<semaphore_mem>>)
        %dma_wait3A_60 = tpu.memref_slice %arg4[%add3A_38] : memref<320000xi32, #tpu.memory_space<hbm>> -> memref<128xi32, #tpu.memory_space<hbm>>
        %dma_wait3A_61 = tpu.memref_slice %arg4[%add3A_38] : memref<320000xi32, #tpu.memory_space<hbm>> -> memref<128xi32, #tpu.memory_space<hbm>>
        tpu.wait_dma2 semaphore(%run_scoped3A : memref<!tpu.dma_semaphore, #tpu.memory_space<semaphore_mem>>) src(%dma_wait3A_61 : memref<128xi32, #tpu.memory_space<hbm>>) dst(%arg9 : memref<128xi32, #tpu.memory_space<vmem>>)
        tpu.yield
      }) : () -> ()
      %dma_start3A_39 = arith.constant 0 : i32
      %dma_start3A_40 = arith.constant 0 : i32
      %dma_start3A_41 = tpu.memref_slice %arg2[%dma_start3A_39, %dma_start3A_40] : memref<10000x128xf32, #tpu.memory_space<hbm>> -> memref<10000x128xf32, #tpu.memory_space<hbm>>
      tpu.enqueue_indirect_dma source(%dma_start3A_41 : memref<10000x128xf32, #tpu.memory_space<hbm>>) target(%arg11 : memref<128x128xf32, #tpu.memory_space<vmem>>) offsets(%arg7 : memref<128xi32, #tpu.memory_space<vmem>>) semaphore(%arg17 : memref<!tpu.dma_semaphore, #tpu.memory_space<semaphore_mem>>)
      %mul3A_42 = arith.constant 2 : i32
      %mul3A_43 = arith.muli %scan3A_31, %mul3A_42 : i32
      %add3A_44 = arith.constant 1 : i32
      %add3A_45 = arith.addi %mul3A_43, %add3A_44 : i32
      %mul3A_46 = arith.constant 128 : i32
      %mul3A_47 = arith.muli %add3A_45, %mul3A_46 : i32
      %add3A_48 = arith.addi %mul3A_8, %mul3A_47 : i32
      "tpu.region"() ({
        %run_scoped3A = tpu.sem_alloc : memref<!tpu.dma_semaphore, #tpu.memory_space<semaphore_mem>>
        %dma_start3A_58 = tpu.memref_slice %arg3[%add3A_48] : memref<320000xi32, #tpu.memory_space<hbm>> -> memref<128xi32, #tpu.memory_space<hbm>>
        %dma_start3A_59 = tpu.memref_slice %arg3[%add3A_48] : memref<320000xi32, #tpu.memory_space<hbm>> -> memref<128xi32, #tpu.memory_space<hbm>>
        tpu.enqueue_dma source(%dma_start3A_59 : memref<128xi32, #tpu.memory_space<hbm>>) target(%arg8 : memref<128xi32, #tpu.memory_space<vmem>>) target_semaphore(%run_scoped3A : memref<!tpu.dma_semaphore, #tpu.memory_space<semaphore_mem>>)
        %dma_wait3A_60 = tpu.memref_slice %arg3[%add3A_48] : memref<320000xi32, #tpu.memory_space<hbm>> -> memref<128xi32, #tpu.memory_space<hbm>>
        %dma_wait3A_61 = tpu.memref_slice %arg3[%add3A_48] : memref<320000xi32, #tpu.memory_space<hbm>> -> memref<128xi32, #tpu.memory_space<hbm>>
        tpu.wait_dma2 semaphore(%run_scoped3A : memref<!tpu.dma_semaphore, #tpu.memory_space<semaphore_mem>>) src(%dma_wait3A_61 : memref<128xi32, #tpu.memory_space<hbm>>) dst(%arg8 : memref<128xi32, #tpu.memory_space<vmem>>)
        tpu.yield
      }) : () -> ()
      "tpu.region"() ({
        %run_scoped3A = tpu.sem_alloc : memref<!tpu.dma_semaphore, #tpu.memory_space<semaphore_mem>>
        %dma_start3A_58 = tpu.memref_slice %arg4[%add3A_48] : memref<320000xi32, #tpu.memory_space<hbm>> -> memref<128xi32, #tpu.memory_space<hbm>>
        %dma_start3A_59 = tpu.memref_slice %arg4[%add3A_48] : memref<320000xi32, #tpu.memory_space<hbm>> -> memref<128xi32, #tpu.memory_space<hbm>>
        tpu.enqueue_dma source(%dma_start3A_59 : memref<128xi32, #tpu.memory_space<hbm>>) target(%arg10 : memref<128xi32, #tpu.memory_space<vmem>>) target_semaphore(%run_scoped3A : memref<!tpu.dma_semaphore, #tpu.memory_space<semaphore_mem>>)
        %dma_wait3A_60 = tpu.memref_slice %arg4[%add3A_48] : memref<320000xi32, #tpu.memory_space<hbm>> -> memref<128xi32, #tpu.memory_space<hbm>>
        %dma_wait3A_61 = tpu.memref_slice %arg4[%add3A_48] : memref<320000xi32, #tpu.memory_space<hbm>> -> memref<128xi32, #tpu.memory_space<hbm>>
        tpu.wait_dma2 semaphore(%run_scoped3A : memref<!tpu.dma_semaphore, #tpu.memory_space<semaphore_mem>>) src(%dma_wait3A_61 : memref<128xi32, #tpu.memory_space<hbm>>) dst(%arg10 : memref<128xi32, #tpu.memory_space<vmem>>)
        tpu.yield
      }) : () -> ()
      %dma_start3A_49 = arith.constant 0 : i32
      %dma_start3A_50 = arith.constant 0 : i32
      %dma_start3A_51 = tpu.memref_slice %arg2[%dma_start3A_49, %dma_start3A_50] : memref<10000x128xf32, #tpu.memory_space<hbm>> -> memref<10000x128xf32, #tpu.memory_space<hbm>>
      tpu.enqueue_indirect_dma source(%dma_start3A_51 : memref<10000x128xf32, #tpu.memory_space<hbm>>) target(%arg12 : memref<128x128xf32, #tpu.memory_space<vmem>>) offsets(%arg8 : memref<128xi32, #tpu.memory_space<vmem>>) semaphore(%arg18 : memref<!tpu.dma_semaphore, #tpu.memory_space<semaphore_mem>>)
      %dma_wait3A_52 = arith.constant 0 : i32
      %dma_wait3A_53 = arith.constant 0 : i32
      %dma_wait3A_54 = tpu.memref_slice %arg2[%dma_wait3A_52, %dma_wait3A_53] : memref<10000x128xf32, #tpu.memory_space<hbm>> -> memref<10000x128xf32, #tpu.memory_space<hbm>>
      tpu.wait_indirect_dma semaphore(%arg17 : memref<!tpu.dma_semaphore, #tpu.memory_space<semaphore_mem>>) src(%dma_wait3A_54 : memref<10000x128xf32, #tpu.memory_space<hbm>>) dst(%arg11 : memref<128x128xf32, #tpu.memory_space<vmem>>)
      "tpu.region"() ({
        %run_scoped3A = tpu.sem_alloc : memref<!tpu.dma_semaphore, #tpu.memory_space<semaphore_mem>>
        %dma_start3A_58 = arith.constant 0 : i32
        %dma_start3A_59 = arith.constant 0 : i32
        %dma_start3A_60 = tpu.memref_slice %arg16[%dma_start3A_58, %dma_start3A_59] : memref<10128x128xf32, #tpu.memory_space<vmem_shared>> -> memref<10128x128xf32, #tpu.memory_space<vmem_shared>>
        tpu.enqueue_indirect_dma source(%arg11 : memref<128x128xf32, #tpu.memory_space<vmem>>) target(%dma_start3A_60 : memref<10128x128xf32, #tpu.memory_space<vmem_shared>>) offsets(%arg9 : memref<128xi32, #tpu.memory_space<vmem>>) semaphore(%run_scoped3A : memref<!tpu.dma_semaphore, #tpu.memory_space<semaphore_mem>>) {add = true}
        %dma_wait3A_61 = arith.constant 0 : i32
        %dma_wait3A_62 = arith.constant 0 : i32
        %dma_wait3A_63 = tpu.memref_slice %arg16[%dma_wait3A_61, %dma_wait3A_62] : memref<10128x128xf32, #tpu.memory_space<vmem_shared>> -> memref<10128x128xf32, #tpu.memory_space<vmem_shared>>
        tpu.wait_indirect_dma semaphore(%run_scoped3A : memref<!tpu.dma_semaphore, #tpu.memory_space<semaphore_mem>>) src(%arg11 : memref<128x128xf32, #tpu.memory_space<vmem>>) dst(%dma_wait3A_63 : memref<10128x128xf32, #tpu.memory_space<vmem_shared>>)
        tpu.yield
      }) : () -> ()
      %dma_wait3A_55 = arith.constant 0 : i32
      %dma_wait3A_56 = arith.constant 0 : i32
      %dma_wait3A_57 = tpu.memref_slice %arg2[%dma_wait3A_55, %dma_wait3A_56] : memref<10000x128xf32, #tpu.memory_space<hbm>> -> memref<10000x128xf32, #tpu.memory_space<hbm>>
      tpu.wait_indirect_dma semaphore(%arg18 : memref<!tpu.dma_semaphore, #tpu.memory_space<semaphore_mem>>) src(%dma_wait3A_57 : memref<10000x128xf32, #tpu.memory_space<hbm>>) dst(%arg12 : memref<128x128xf32, #tpu.memory_space<vmem>>)
      "tpu.region"() ({
        %run_scoped3A = tpu.sem_alloc : memref<!tpu.dma_semaphore, #tpu.memory_space<semaphore_mem>>
        %dma_start3A_58 = arith.constant 0 : i32
        %dma_start3A_59 = arith.constant 0 : i32
        %dma_start3A_60 = tpu.memref_slice %arg16[%dma_start3A_58, %dma_start3A_59] : memref<10128x128xf32, #tpu.memory_space<vmem_shared>> -> memref<10128x128xf32, #tpu.memory_space<vmem_shared>>
        tpu.enqueue_indirect_dma source(%arg12 : memref<128x128xf32, #tpu.memory_space<vmem>>) target(%dma_start3A_60 : memref<10128x128xf32, #tpu.memory_space<vmem_shared>>) offsets(%arg10 : memref<128xi32, #tpu.memory_space<vmem>>) semaphore(%run_scoped3A : memref<!tpu.dma_semaphore, #tpu.memory_space<semaphore_mem>>) {add = true}
        %dma_wait3A_61 = arith.constant 0 : i32
        %dma_wait3A_62 = arith.constant 0 : i32
        %dma_wait3A_63 = tpu.memref_slice %arg16[%dma_wait3A_61, %dma_wait3A_62] : memref<10128x128xf32, #tpu.memory_space<vmem_shared>> -> memref<10128x128xf32, #tpu.memory_space<vmem_shared>>
        tpu.wait_indirect_dma semaphore(%run_scoped3A : memref<!tpu.dma_semaphore, #tpu.memory_space<semaphore_mem>>) src(%arg12 : memref<128x128xf32, #tpu.memory_space<vmem>>) dst(%dma_wait3A_63 : memref<10128x128xf32, #tpu.memory_space<vmem_shared>>)
        tpu.yield
      }) : () -> ()
    }
    %scan3A_13 = arith.constant 39 : i32
    %add3A_14 = arith.constant 9984 : i32
    %add3A_15 = arith.addi %mul3A_8, %add3A_14 : i32
    "tpu.region"() ({
      %run_scoped3A = tpu.sem_alloc : memref<!tpu.dma_semaphore, #tpu.memory_space<semaphore_mem>>
      %dma_start3A_31 = tpu.memref_slice %arg3[%add3A_15] : memref<320000xi32, #tpu.memory_space<hbm>> -> memref<16xi32, #tpu.memory_space<hbm>>
      %dma_start3A_32 = tpu.memref_slice %arg3[%add3A_15] : memref<320000xi32, #tpu.memory_space<hbm>> -> memref<16xi32, #tpu.memory_space<hbm>>
      tpu.enqueue_dma source(%dma_start3A_32 : memref<16xi32, #tpu.memory_space<hbm>>) target(%arg13 : memref<16xi32, #tpu.memory_space<vmem>>) target_semaphore(%run_scoped3A : memref<!tpu.dma_semaphore, #tpu.memory_space<semaphore_mem>>)
      %dma_wait3A_33 = tpu.memref_slice %arg3[%add3A_15] : memref<320000xi32, #tpu.memory_space<hbm>> -> memref<16xi32, #tpu.memory_space<hbm>>
      %dma_wait3A_34 = tpu.memref_slice %arg3[%add3A_15] : memref<320000xi32, #tpu.memory_space<hbm>> -> memref<16xi32, #tpu.memory_space<hbm>>
      tpu.wait_dma2 semaphore(%run_scoped3A : memref<!tpu.dma_semaphore, #tpu.memory_space<semaphore_mem>>) src(%dma_wait3A_34 : memref<16xi32, #tpu.memory_space<hbm>>) dst(%arg13 : memref<16xi32, #tpu.memory_space<vmem>>)
      tpu.yield
    }) : () -> ()
    "tpu.region"() ({
      %run_scoped3A = tpu.sem_alloc : memref<!tpu.dma_semaphore, #tpu.memory_space<semaphore_mem>>
      %dma_start3A_31 = tpu.memref_slice %arg4[%add3A_15] : memref<320000xi32, #tpu.memory_space<hbm>> -> memref<16xi32, #tpu.memory_space<hbm>>
      %dma_start3A_32 = tpu.memref_slice %arg4[%add3A_15] : memref<320000xi32, #tpu.memory_space<hbm>> -> memref<16xi32, #tpu.memory_space<hbm>>
      tpu.enqueue_dma source(%dma_start3A_32 : memref<16xi32, #tpu.memory_space<hbm>>) target(%arg14 : memref<16xi32, #tpu.memory_space<vmem>>) target_semaphore(%run_scoped3A : memref<!tpu.dma_semaphore, #tpu.memory_space<semaphore_mem>>)
      %dma_wait3A_33 = tpu.memref_slice %arg4[%add3A_15] : memref<320000xi32, #tpu.memory_space<hbm>> -> memref<16xi32, #tpu.memory_space<hbm>>
      %dma_wait3A_34 = tpu.memref_slice %arg4[%add3A_15] : memref<320000xi32, #tpu.memory_space<hbm>> -> memref<16xi32, #tpu.memory_space<hbm>>
      tpu.wait_dma2 semaphore(%run_scoped3A : memref<!tpu.dma_semaphore, #tpu.memory_space<semaphore_mem>>) src(%dma_wait3A_34 : memref<16xi32, #tpu.memory_space<hbm>>) dst(%arg14 : memref<16xi32, #tpu.memory_space<vmem>>)
      tpu.yield
    }) : () -> ()
    %dma_start3A = arith.constant 0 : i32
    %dma_start3A_16 = arith.constant 0 : i32
    %dma_start3A_17 = tpu.memref_slice %arg2[%dma_start3A, %dma_start3A_16] : memref<10000x128xf32, #tpu.memory_space<hbm>> -> memref<10000x128xf32, #tpu.memory_space<hbm>>
    tpu.enqueue_indirect_dma source(%dma_start3A_17 : memref<10000x128xf32, #tpu.memory_space<hbm>>) target(%arg15 : memref<16x128xf32, #tpu.memory_space<vmem>>) offsets(%arg13 : memref<16xi32, #tpu.memory_space<vmem>>) semaphore(%arg17 : memref<!tpu.dma_semaphore, #tpu.memory_space<semaphore_mem>>)
    %dma_wait3A = arith.constant 0 : i32
    %dma_wait3A_18 = arith.constant 0 : i32
    %dma_wait3A_19 = tpu.memref_slice %arg2[%dma_wait3A, %dma_wait3A_18] : memref<10000x128xf32, #tpu.memory_space<hbm>> -> memref<10000x128xf32, #tpu.memory_space<hbm>>
    tpu.wait_indirect_dma semaphore(%arg17 : memref<!tpu.dma_semaphore, #tpu.memory_space<semaphore_mem>>) src(%dma_wait3A_19 : memref<10000x128xf32, #tpu.memory_space<hbm>>) dst(%arg15 : memref<16x128xf32, #tpu.memory_space<vmem>>)
    "tpu.region"() ({
      %run_scoped3A = tpu.sem_alloc : memref<!tpu.dma_semaphore, #tpu.memory_space<semaphore_mem>>
      %dma_start3A_31 = arith.constant 0 : i32
      %dma_start3A_32 = arith.constant 0 : i32
      %dma_start3A_33 = tpu.memref_slice %arg16[%dma_start3A_31, %dma_start3A_32] : memref<10128x128xf32, #tpu.memory_space<vmem_shared>> -> memref<10128x128xf32, #tpu.memory_space<vmem_shared>>
      tpu.enqueue_indirect_dma source(%arg15 : memref<16x128xf32, #tpu.memory_space<vmem>>) target(%dma_start3A_33 : memref<10128x128xf32, #tpu.memory_space<vmem_shared>>) offsets(%arg14 : memref<16xi32, #tpu.memory_space<vmem>>) semaphore(%run_scoped3A : memref<!tpu.dma_semaphore, #tpu.memory_space<semaphore_mem>>) {add = true}
      %dma_wait3A_34 = arith.constant 0 : i32
      %dma_wait3A_35 = arith.constant 0 : i32
      %dma_wait3A_36 = tpu.memref_slice %arg16[%dma_wait3A_34, %dma_wait3A_35] : memref<10128x128xf32, #tpu.memory_space<vmem_shared>> -> memref<10128x128xf32, #tpu.memory_space<vmem_shared>>
      tpu.wait_indirect_dma semaphore(%run_scoped3A : memref<!tpu.dma_semaphore, #tpu.memory_space<semaphore_mem>>) src(%arg15 : memref<16x128xf32, #tpu.memory_space<vmem>>) dst(%dma_wait3A_36 : memref<10128x128xf32, #tpu.memory_space<vmem_shared>>)
      tpu.yield
    }) : () -> ()
    %barrier3A_20 = arith.constant 0 : index
    tpu.barrier barrier_id(%barrier3A_20)
    %lt3A_21 = arith.constant 15 : i32
    %lt3A_22 = arith.cmpi slt, %arg1, %lt3A_21 : i32
    %convert_element_type3A_23 = arith.extui %lt3A_22 : i1 to i32
    %cond3A_24 = arith.constant 0 : i32
    %cond3A_25 = arith.cmpi ne, %convert_element_type3A_23, %cond3A_24 : i32
    scf.if %cond3A_25 {
      %mul3A_31 = arith.constant 640 : i32
      %mul3A_32 = arith.muli %arg1, %mul3A_31 : i32
      %mul3A_33 = arith.constant 640 : i32
      %mul3A_34 = arith.muli %arg1, %mul3A_33 : i32
      "tpu.region"() ({
        %run_scoped3A = tpu.sem_alloc : memref<!tpu.dma_semaphore, #tpu.memory_space<semaphore_mem>>
        %dma_start3A_35 = arith.constant 0 : i32
        %dma_start3A_36 = tpu.memref_slice %arg6[%arg0, %mul3A_34, %dma_start3A_35] : memref<2x10000x128xf32, #tpu.memory_space<hbm>> -> memref<1x640x128xf32, #tpu.memory_space<hbm>>
        %dma_start3A_37 = tpu.memref_squeeze %dma_start3A_36 : memref<1x640x128xf32, #tpu.memory_space<hbm>> -> memref<640x128xf32, #tpu.memory_space<hbm>>
        %dma_start3A_38 = arith.constant 0 : i32
        %dma_start3A_39 = tpu.memref_slice %arg16[%mul3A_32, %dma_start3A_38] : memref<10128x128xf32, #tpu.memory_space<vmem_shared>> -> memref<640x128xf32, #tpu.memory_space<vmem_shared>>
        tpu.enqueue_dma source(%dma_start3A_39 : memref<640x128xf32, #tpu.memory_space<vmem_shared>>) target(%dma_start3A_37 : memref<640x128xf32, #tpu.memory_space<hbm>>) target_semaphore(%run_scoped3A : memref<!tpu.dma_semaphore, #tpu.memory_space<semaphore_mem>>)
        %dma_wait3A_40 = arith.constant 0 : i32
        %dma_wait3A_41 = tpu.memref_slice %arg6[%arg0, %mul3A_34, %dma_wait3A_40] : memref<2x10000x128xf32, #tpu.memory_space<hbm>> -> memref<1x640x128xf32, #tpu.memory_space<hbm>>
        %dma_wait3A_42 = tpu.memref_squeeze %dma_wait3A_41 : memref<1x640x128xf32, #tpu.memory_space<hbm>> -> memref<640x128xf32, #tpu.memory_space<hbm>>
        %dma_wait3A_43 = arith.constant 0 : i32
        %dma_wait3A_44 = tpu.memref_slice %arg16[%mul3A_32, %dma_wait3A_43] : memref<10128x128xf32, #tpu.memory_space<vmem_shared>> -> memref<640x128xf32, #tpu.memory_space<vmem_shared>>
        tpu.wait_dma2 semaphore(%run_scoped3A : memref<!tpu.dma_semaphore, #tpu.memory_space<semaphore_mem>>) src(%dma_wait3A_44 : memref<640x128xf32, #tpu.memory_space<vmem_shared>>) dst(%dma_wait3A_42 : memref<640x128xf32, #tpu.memory_space<hbm>>)
        tpu.yield
      }) : () -> ()
    } else {
    }
    %eq3A_26 = arith.constant 15 : i32
    %eq3A_27 = arith.cmpi eq, %arg1, %eq3A_26 : i32
    %convert_element_type3A_28 = arith.extui %eq3A_27 : i1 to i32
    %cond3A_29 = arith.constant 0 : i32
    %cond3A_30 = arith.cmpi ne, %convert_element_type3A_28, %cond3A_29 : i32
    scf.if %cond3A_30 {
      "tpu.region"() ({
        %run_scoped3A = tpu.sem_alloc : memref<!tpu.dma_semaphore, #tpu.memory_space<semaphore_mem>>
        %dma_start3A_31 = arith.constant 9600 : i32
        %dma_start3A_32 = arith.constant 0 : i32
        %dma_start3A_33 = tpu.memref_slice %arg6[%arg0, %dma_start3A_31, %dma_start3A_32] : memref<2x10000x128xf32, #tpu.memory_space<hbm>> -> memref<1x400x128xf32, #tpu.memory_space<hbm>>
        %dma_start3A_34 = tpu.memref_squeeze %dma_start3A_33 : memref<1x400x128xf32, #tpu.memory_space<hbm>> -> memref<400x128xf32, #tpu.memory_space<hbm>>
        %dma_start3A_35 = arith.constant 9600 : i32
        %dma_start3A_36 = arith.constant 0 : i32
        %dma_start3A_37 = tpu.memref_slice %arg16[%dma_start3A_35, %dma_start3A_36] : memref<10128x128xf32, #tpu.memory_space<vmem_shared>> -> memref<400x128xf32, #tpu.memory_space<vmem_shared>>
        tpu.enqueue_dma source(%dma_start3A_37 : memref<400x128xf32, #tpu.memory_space<vmem_shared>>) target(%dma_start3A_34 : memref<400x128xf32, #tpu.memory_space<hbm>>) target_semaphore(%run_scoped3A : memref<!tpu.dma_semaphore, #tpu.memory_space<semaphore_mem>>)
        %dma_wait3A_38 = arith.constant 9600 : i32
        %dma_wait3A_39 = arith.constant 0 : i32
        %dma_wait3A_40 = tpu.memref_slice %arg6[%arg0, %dma_wait3A_38, %dma_wait3A_39] : memref<2x10000x128xf32, #tpu.memory_space<hbm>> -> memref<1x400x128xf32, #tpu.memory_space<hbm>>
        %dma_wait3A_41 = tpu.memref_squeeze %dma_wait3A_40 : memref<1x400x128xf32, #tpu.memory_space<hbm>> -> memref<400x128xf32, #tpu.memory_space<hbm>>
        %dma_wait3A_42 = arith.constant 9600 : i32
        %dma_wait3A_43 = arith.constant 0 : i32
        %dma_wait3A_44 = tpu.memref_slice %arg16[%dma_wait3A_42, %dma_wait3A_43] : memref<10128x128xf32, #tpu.memory_space<vmem_shared>> -> memref<400x128xf32, #tpu.memory_space<vmem_shared>>
        tpu.wait_dma2 semaphore(%run_scoped3A : memref<!tpu.dma_semaphore, #tpu.memory_space<semaphore_mem>>) src(%dma_wait3A_44 : memref<400x128xf32, #tpu.memory_space<vmem_shared>>) dst(%dma_wait3A_41 : memref<400x128xf32, #tpu.memory_space<hbm>>)
        tpu.yield
      }) : () -> ()
    } else {
    }
    return
  }
}

module attributes {stable_mosaic.version = 14 : i64} {
  func.func @_mlp_body(%arg0: i32, %arg1: memref<2000x144xf32, #tpu.memory_space<vmem>>, %arg2: memref<2x2000x144xf32, #tpu.memory_space<vmem>>, %arg3: memref<144x128xf32, #tpu.memory_space<vmem>>, %arg4: memref<1x128xf32, #tpu.memory_space<vmem>>, %arg5: memref<128x128xf32, #tpu.memory_space<vmem>>, %arg6: memref<1x128xf32, #tpu.memory_space<vmem>>, %arg7: memref<2000x128xf32, #tpu.memory_space<vmem>>) attributes {dimension_semantics = [#tpu.dimension_semantics<arbitrary>], iteration_bounds = array<i64: 5>, scalar_prefetch = 0 : i64, scratch_operands = 0 : i64, tpu.core_type = #tpu.core_type<tc>, window_params = [{transform_indices = @transform_0, window_bounds = array<i64: 2000, 144>}, {transform_indices = @transform_1, window_bounds = array<i64: 2, 2000, 144>}, {pipeline_mode = #tpu.pipeline_mode<synchronous>, transform_indices = @transform_2, window_bounds = array<i64: 144, 128>}, {pipeline_mode = #tpu.pipeline_mode<synchronous>, transform_indices = @transform_3, window_bounds = array<i64: 1, 128>}, {pipeline_mode = #tpu.pipeline_mode<synchronous>, transform_indices = @transform_4, window_bounds = array<i64: 128, 128>}, {pipeline_mode = #tpu.pipeline_mode<synchronous>, transform_indices = @transform_5, window_bounds = array<i64: 1, 128>}, {transform_indices = @transform_6, window_bounds = array<i64: 2000, 128>}]} {
    %get3A = arith.constant 0 : index
    %get3A_0 = arith.constant 0 : index
    %get3A_1 = vector.load %arg1[%get3A, %get3A_0] : memref<2000x144xf32, #tpu.memory_space<vmem>>, vector<2000x144xf32>
    %get3A_2 = arith.constant 0 : index
    %get3A_3 = arith.constant 0 : index
    %get3A_4 = arith.constant 0 : index
    %get3A_5 = vector.load %arg2[%get3A_2, %get3A_3, %get3A_4] : memref<2x2000x144xf32, #tpu.memory_space<vmem>>, vector<1x2000x144xf32>
    %get3A_6 = vector.shape_cast %get3A_5 : vector<1x2000x144xf32> to vector<2000x144xf32>
    %add3A = arith.addf %get3A_1, %get3A_6 : vector<2000x144xf32>
    %get3A_7 = arith.constant 1 : index
    %get3A_8 = arith.constant 0 : index
    %get3A_9 = arith.constant 0 : index
    %get3A_10 = vector.load %arg2[%get3A_7, %get3A_8, %get3A_9] : memref<2x2000x144xf32, #tpu.memory_space<vmem>>, vector<1x2000x144xf32>
    %get3A_11 = vector.shape_cast %get3A_10 : vector<1x2000x144xf32> to vector<2000x144xf32>
    %add3A_12 = arith.addf %add3A, %get3A_11 : vector<2000x144xf32>
    %get3A_13 = arith.constant 0 : index
    %get3A_14 = arith.constant 0 : index
    %get3A_15 = vector.load %arg3[%get3A_13, %get3A_14] : memref<144x128xf32, #tpu.memory_space<vmem>>, vector<144x128xf32>
    %dot_general3A = arith.constant dense<0.000000e+00> : vector<2000x128xf32>
    %dot_general3A_16 = tpu.matmul %add3A_12, %get3A_15, %dot_general3A {dimension_numbers = #tpu.dot_dimension_numbers<[1], [0], [0], [1], [0, 0, 1, 1], [], []>, transpose_lhs_hint = false} : vector<2000x144xf32>, vector<144x128xf32>, vector<2000x128xf32> -> vector<2000x128xf32>
    %get3A_17 = arith.constant 0 : index
    %get3A_18 = arith.constant 0 : index
    %get3A_19 = vector.load %arg4[%get3A_17, %get3A_18] : memref<1x128xf32, #tpu.memory_space<vmem>>, vector<1x128xf32>
    %add3A_20 = vector.broadcast %get3A_19 : vector<1x128xf32> to vector<2000x128xf32>
    %add3A_21 = arith.addf %dot_general3A_16, %add3A_20 : vector<2000x128xf32>
    %max3A = arith.constant 0.000000e+00 : f32
    %max3A_22 = vector.broadcast %max3A : f32 to vector<2000x128xf32>
    %max3A_23 = arith.maximumf %add3A_21, %max3A_22 : vector<2000x128xf32>
    %get3A_24 = arith.constant 0 : index
    %get3A_25 = arith.constant 0 : index
    %get3A_26 = vector.load %arg5[%get3A_24, %get3A_25] : memref<128x128xf32, #tpu.memory_space<vmem>>, vector<128x128xf32>
    %dot_general3A_27 = arith.constant dense<0.000000e+00> : vector<2000x128xf32>
    %dot_general3A_28 = tpu.matmul %max3A_23, %get3A_26, %dot_general3A_27 {dimension_numbers = #tpu.dot_dimension_numbers<[1], [0], [0], [1], [0, 0, 1, 1], [], []>, transpose_lhs_hint = false} : vector<2000x128xf32>, vector<128x128xf32>, vector<2000x128xf32> -> vector<2000x128xf32>
    %get3A_29 = arith.constant 0 : index
    %get3A_30 = arith.constant 0 : index
    %get3A_31 = vector.load %arg6[%get3A_29, %get3A_30] : memref<1x128xf32, #tpu.memory_space<vmem>>, vector<1x128xf32>
    %add3A_32 = vector.broadcast %get3A_31 : vector<1x128xf32> to vector<2000x128xf32>
    %add3A_33 = arith.addf %dot_general3A_28, %add3A_32 : vector<2000x128xf32>
    %max3A_34 = arith.constant 0.000000e+00 : f32
    %max3A_35 = vector.broadcast %max3A_34 : f32 to vector<2000x128xf32>
    %max3A_36 = arith.maximumf %add3A_33, %max3A_35 : vector<2000x128xf32>
    %swap3A = arith.constant 0 : index
    %swap3A_37 = arith.constant 0 : index
    %swap3A_38 = vector.load %arg7[%swap3A, %swap3A_37] : memref<2000x128xf32, #tpu.memory_space<vmem>>, vector<2000x128xf32>
    tpu.vector_store %arg7[%swap3A, %swap3A_37], %max3A_36 {strides = array<i32>} : memref<2000x128xf32, #tpu.memory_space<vmem>>, vector<2000x128xf32>,
    return
  }
  func.func @transform_0(%arg0: i32) -> (i32, i32) {
    %c0_i32 = arith.constant 0 : i32
    %c0_i32_0 = arith.constant 0 : i32
    return %arg0, %c0_i32 : i32, i32
  }
  func.func @transform_1(%arg0: i32) -> (i32, i32, i32) {
    %c0_i32 = arith.constant 0 : i32
    %c0_i32_0 = arith.constant 0 : i32
    %c0_i32_1 = arith.constant 0 : i32
    return %c0_i32, %arg0, %c0_i32_0 : i32, i32, i32
  }
  func.func @transform_2(%arg0: i32) -> (i32, i32) {
    %c0_i32 = arith.constant 0 : i32
    %c0_i32_0 = arith.constant 0 : i32
    %c0_i32_1 = arith.constant 0 : i32
    return %c0_i32, %c0_i32_0 : i32, i32
  }
  func.func @transform_3(%arg0: i32) -> (i32, i32) {
    %c0_i32 = arith.constant 0 : i32
    %c0_i32_0 = arith.constant 0 : i32
    %c0_i32_1 = arith.constant 0 : i32
    return %c0_i32, %c0_i32_0 : i32, i32
  }
  func.func @transform_4(%arg0: i32) -> (i32, i32) {
    %c0_i32 = arith.constant 0 : i32
    %c0_i32_0 = arith.constant 0 : i32
    %c0_i32_1 = arith.constant 0 : i32
    return %c0_i32, %c0_i32_0 : i32, i32
  }
  func.func @transform_5(%arg0: i32) -> (i32, i32) {
    %c0_i32 = arith.constant 0 : i32
    %c0_i32_0 = arith.constant 0 : i32
    %c0_i32_1 = arith.constant 0 : i32
    return %c0_i32, %c0_i32_0 : i32, i32
  }
  func.func @transform_6(%arg0: i32) -> (i32, i32) {
    %c0_i32 = arith.constant 0 : i32
    %c0_i32_0 = arith.constant 0 : i32
    return %arg0, %c0_i32 : i32, i32
  }
}

module attributes {stable_mosaic.version = 14 : i64} {
  func.func @_mlp_body(%arg0: i32, %arg1: memref<2000x128xf32, #tpu.memory_space<vmem>>, %arg2: memref<2x2000x128xf32, #tpu.memory_space<vmem>>, %arg3: memref<128x128xf32, #tpu.memory_space<vmem>>, %arg4: memref<1x128xf32, #tpu.memory_space<vmem>>, %arg5: memref<128x128xf32, #tpu.memory_space<vmem>>, %arg6: memref<1x128xf32, #tpu.memory_space<vmem>>, %arg7: memref<2000x128xf32, #tpu.memory_space<vmem>>) attributes {dimension_semantics = [#tpu.dimension_semantics<arbitrary>], iteration_bounds = array<i64: 5>, scalar_prefetch = 0 : i64, scratch_operands = 0 : i64, tpu.core_type = #tpu.core_type<tc>, window_params = [{transform_indices = @transform_0, window_bounds = array<i64: 2000, 128>}, {transform_indices = @transform_1, window_bounds = array<i64: 2, 2000, 128>}, {pipeline_mode = #tpu.pipeline_mode<synchronous>, transform_indices = @transform_2, window_bounds = array<i64: 128, 128>}, {pipeline_mode = #tpu.pipeline_mode<synchronous>, transform_indices = @transform_3, window_bounds = array<i64: 1, 128>}, {pipeline_mode = #tpu.pipeline_mode<synchronous>, transform_indices = @transform_4, window_bounds = array<i64: 128, 128>}, {pipeline_mode = #tpu.pipeline_mode<synchronous>, transform_indices = @transform_5, window_bounds = array<i64: 1, 128>}, {transform_indices = @transform_6, window_bounds = array<i64: 2000, 128>}]} {
    %get3A = arith.constant 0 : index
    %get3A_0 = arith.constant 0 : index
    %get3A_1 = vector.load %arg1[%get3A, %get3A_0] : memref<2000x128xf32, #tpu.memory_space<vmem>>, vector<2000x128xf32>
    %get3A_2 = arith.constant 0 : index
    %get3A_3 = arith.constant 0 : index
    %get3A_4 = arith.constant 0 : index
    %get3A_5 = vector.load %arg2[%get3A_2, %get3A_3, %get3A_4] : memref<2x2000x128xf32, #tpu.memory_space<vmem>>, vector<1x2000x128xf32>
    %get3A_6 = vector.shape_cast %get3A_5 : vector<1x2000x128xf32> to vector<2000x128xf32>
    %add3A = arith.addf %get3A_1, %get3A_6 : vector<2000x128xf32>
    %get3A_7 = arith.constant 1 : index
    %get3A_8 = arith.constant 0 : index
    %get3A_9 = arith.constant 0 : index
    %get3A_10 = vector.load %arg2[%get3A_7, %get3A_8, %get3A_9] : memref<2x2000x128xf32, #tpu.memory_space<vmem>>, vector<1x2000x128xf32>
    %get3A_11 = vector.shape_cast %get3A_10 : vector<1x2000x128xf32> to vector<2000x128xf32>
    %add3A_12 = arith.addf %add3A, %get3A_11 : vector<2000x128xf32>
    %get3A_13 = arith.constant 0 : index
    %get3A_14 = arith.constant 0 : index
    %get3A_15 = vector.load %arg3[%get3A_13, %get3A_14] : memref<128x128xf32, #tpu.memory_space<vmem>>, vector<128x128xf32>
    %dot_general3A = arith.constant dense<0.000000e+00> : vector<2000x128xf32>
    %dot_general3A_16 = tpu.matmul %add3A_12, %get3A_15, %dot_general3A {dimension_numbers = #tpu.dot_dimension_numbers<[1], [0], [0], [1], [0, 0, 1, 1], [], []>, transpose_lhs_hint = false} : vector<2000x128xf32>, vector<128x128xf32>, vector<2000x128xf32> -> vector<2000x128xf32>
    %get3A_17 = arith.constant 0 : index
    %get3A_18 = arith.constant 0 : index
    %get3A_19 = vector.load %arg4[%get3A_17, %get3A_18] : memref<1x128xf32, #tpu.memory_space<vmem>>, vector<1x128xf32>
    %add3A_20 = vector.broadcast %get3A_19 : vector<1x128xf32> to vector<2000x128xf32>
    %add3A_21 = arith.addf %dot_general3A_16, %add3A_20 : vector<2000x128xf32>
    %max3A = arith.constant 0.000000e+00 : f32
    %max3A_22 = vector.broadcast %max3A : f32 to vector<2000x128xf32>
    %max3A_23 = arith.maximumf %add3A_21, %max3A_22 : vector<2000x128xf32>
    %get3A_24 = arith.constant 0 : index
    %get3A_25 = arith.constant 0 : index
    %get3A_26 = vector.load %arg5[%get3A_24, %get3A_25] : memref<128x128xf32, #tpu.memory_space<vmem>>, vector<128x128xf32>
    %dot_general3A_27 = arith.constant dense<0.000000e+00> : vector<2000x128xf32>
    %dot_general3A_28 = tpu.matmul %max3A_23, %get3A_26, %dot_general3A_27 {dimension_numbers = #tpu.dot_dimension_numbers<[1], [0], [0], [1], [0, 0, 1, 1], [], []>, transpose_lhs_hint = false} : vector<2000x128xf32>, vector<128x128xf32>, vector<2000x128xf32> -> vector<2000x128xf32>
    %get3A_29 = arith.constant 0 : index
    %get3A_30 = arith.constant 0 : index
    %get3A_31 = vector.load %arg6[%get3A_29, %get3A_30] : memref<1x128xf32, #tpu.memory_space<vmem>>, vector<1x128xf32>
    %add3A_32 = vector.broadcast %get3A_31 : vector<1x128xf32> to vector<2000x128xf32>
    %add3A_33 = arith.addf %dot_general3A_28, %add3A_32 : vector<2000x128xf32>
    %max3A_34 = arith.constant 0.000000e+00 : f32
    %max3A_35 = vector.broadcast %max3A_34 : f32 to vector<2000x128xf32>
    %max3A_36 = arith.maximumf %add3A_33, %max3A_35 : vector<2000x128xf32>
    %swap3A = arith.constant 0 : index
    %swap3A_37 = arith.constant 0 : index
    %swap3A_38 = vector.load %arg7[%swap3A, %swap3A_37] : memref<2000x128xf32, #tpu.memory_space<vmem>>, vector<2000x128xf32>
    tpu.vector_store %arg7[%swap3A, %swap3A_37], %max3A_36 {strides = array<i32>} : memref<2000x128xf32, #tpu.memory_space<vmem>>, vector<2000x128xf32>,
    return
  }
  func.func @transform_0(%arg0: i32) -> (i32, i32) {
    %c0_i32 = arith.constant 0 : i32
    %c0_i32_0 = arith.constant 0 : i32
    return %arg0, %c0_i32 : i32, i32
  }
  func.func @transform_1(%arg0: i32) -> (i32, i32, i32) {
    %c0_i32 = arith.constant 0 : i32
    %c0_i32_0 = arith.constant 0 : i32
    %c0_i32_1 = arith.constant 0 : i32
    return %c0_i32, %arg0, %c0_i32_0 : i32, i32, i32
  }
  func.func @transform_2(%arg0: i32) -> (i32, i32) {
    %c0_i32 = arith.constant 0 : i32
    %c0_i32_0 = arith.constant 0 : i32
    %c0_i32_1 = arith.constant 0 : i32
    return %c0_i32, %c0_i32_0 : i32, i32
  }
  func.func @transform_3(%arg0: i32) -> (i32, i32) {
    %c0_i32 = arith.constant 0 : i32
    %c0_i32_0 = arith.constant 0 : i32
    %c0_i32_1 = arith.constant 0 : i32
    return %c0_i32, %c0_i32_0 : i32, i32
  }
  func.func @transform_4(%arg0: i32) -> (i32, i32) {
    %c0_i32 = arith.constant 0 : i32
    %c0_i32_0 = arith.constant 0 : i32
    %c0_i32_1 = arith.constant 0 : i32
    return %c0_i32, %c0_i32_0 : i32, i32
  }
  func.func @transform_5(%arg0: i32) -> (i32, i32) {
    %c0_i32 = arith.constant 0 : i32
    %c0_i32_0 = arith.constant 0 : i32
    %c0_i32_1 = arith.constant 0 : i32
    return %c0_i32, %c0_i32_0 : i32, i32
  }
  func.func @transform_6(%arg0: i32) -> (i32, i32) {
    %c0_i32 = arith.constant 0 : i32
    %c0_i32_0 = arith.constant 0 : i32
    return %arg0, %c0_i32 : i32, i32
  }
}

module attributes {stable_mosaic.version = 14 : i64} {
  func.func @_mlp_readout_body(%arg0: memref<2500x128xf32, #tpu.memory_space<vmem>>, %arg1: memref<2x2500x128xf32, #tpu.memory_space<vmem>>, %arg2: memref<128x128xf32, #tpu.memory_space<vmem>>, %arg3: memref<1x128xf32, #tpu.memory_space<vmem>>, %arg4: memref<128x128xf32, #tpu.memory_space<vmem>>, %arg5: memref<1x128xf32, #tpu.memory_space<vmem>>, %arg6: memref<128x1xf32, #tpu.memory_space<vmem>>, %arg7: memref<1x1xf32, #tpu.memory_space<vmem>>, %arg8: memref<2500x1xf32, #tpu.memory_space<vmem>>) attributes {dimension_semantics = [], scalar_prefetch = 0 : i64, scratch_operands = 0 : i64, tpu.core_type = #tpu.core_type<tc>} {
    %get3A = arith.constant 0 : index
    %get3A_0 = arith.constant 0 : index
    %get3A_1 = vector.load %arg0[%get3A, %get3A_0] : memref<2500x128xf32, #tpu.memory_space<vmem>>, vector<2500x128xf32>
    %get3A_2 = arith.constant 0 : index
    %get3A_3 = arith.constant 0 : index
    %get3A_4 = arith.constant 0 : index
    %get3A_5 = vector.load %arg1[%get3A_2, %get3A_3, %get3A_4] : memref<2x2500x128xf32, #tpu.memory_space<vmem>>, vector<1x2500x128xf32>
    %get3A_6 = vector.shape_cast %get3A_5 : vector<1x2500x128xf32> to vector<2500x128xf32>
    %add3A = arith.addf %get3A_1, %get3A_6 : vector<2500x128xf32>
    %get3A_7 = arith.constant 1 : index
    %get3A_8 = arith.constant 0 : index
    %get3A_9 = arith.constant 0 : index
    %get3A_10 = vector.load %arg1[%get3A_7, %get3A_8, %get3A_9] : memref<2x2500x128xf32, #tpu.memory_space<vmem>>, vector<1x2500x128xf32>
    %get3A_11 = vector.shape_cast %get3A_10 : vector<1x2500x128xf32> to vector<2500x128xf32>
    %add3A_12 = arith.addf %add3A, %get3A_11 : vector<2500x128xf32>
    %get3A_13 = arith.constant 0 : index
    %get3A_14 = arith.constant 0 : index
    %get3A_15 = vector.load %arg2[%get3A_13, %get3A_14] : memref<128x128xf32, #tpu.memory_space<vmem>>, vector<128x128xf32>
    %dot_general3A = arith.constant dense<0.000000e+00> : vector<2500x128xf32>
    %dot_general3A_16 = tpu.matmul %add3A_12, %get3A_15, %dot_general3A {dimension_numbers = #tpu.dot_dimension_numbers<[1], [0], [0], [1], [0, 0, 1, 1], [], []>, transpose_lhs_hint = false} : vector<2500x128xf32>, vector<128x128xf32>, vector<2500x128xf32> -> vector<2500x128xf32>
    %get3A_17 = arith.constant 0 : index
    %get3A_18 = arith.constant 0 : index
    %get3A_19 = vector.load %arg3[%get3A_17, %get3A_18] : memref<1x128xf32, #tpu.memory_space<vmem>>, vector<1x128xf32>
    %add3A_20 = vector.broadcast %get3A_19 : vector<1x128xf32> to vector<2500x128xf32>
    %add3A_21 = arith.addf %dot_general3A_16, %add3A_20 : vector<2500x128xf32>
    %max3A = arith.constant 0.000000e+00 : f32
    %max3A_22 = vector.broadcast %max3A : f32 to vector<2500x128xf32>
    %max3A_23 = arith.maximumf %add3A_21, %max3A_22 : vector<2500x128xf32>
    %get3A_24 = arith.constant 0 : index
    %get3A_25 = arith.constant 0 : index
    %get3A_26 = vector.load %arg4[%get3A_24, %get3A_25] : memref<128x128xf32, #tpu.memory_space<vmem>>, vector<128x128xf32>
    %dot_general3A_27 = arith.constant dense<0.000000e+00> : vector<2500x128xf32>
    %dot_general3A_28 = tpu.matmul %max3A_23, %get3A_26, %dot_general3A_27 {dimension_numbers = #tpu.dot_dimension_numbers<[1], [0], [0], [1], [0, 0, 1, 1], [], []>, transpose_lhs_hint = false} : vector<2500x128xf32>, vector<128x128xf32>, vector<2500x128xf32> -> vector<2500x128xf32>
    %get3A_29 = arith.constant 0 : index
    %get3A_30 = arith.constant 0 : index
    %get3A_31 = vector.load %arg5[%get3A_29, %get3A_30] : memref<1x128xf32, #tpu.memory_space<vmem>>, vector<1x128xf32>
    %add3A_32 = vector.broadcast %get3A_31 : vector<1x128xf32> to vector<2500x128xf32>
    %add3A_33 = arith.addf %dot_general3A_28, %add3A_32 : vector<2500x128xf32>
    %max3A_34 = arith.constant 0.000000e+00 : f32
    %max3A_35 = vector.broadcast %max3A_34 : f32 to vector<2500x128xf32>
    %max3A_36 = arith.maximumf %add3A_33, %max3A_35 : vector<2500x128xf32>
    %get3A_37 = arith.constant 0 : index
    %get3A_38 = arith.constant 0 : index
    %get3A_39 = vector.load %arg6[%get3A_37, %get3A_38] : memref<128x1xf32, #tpu.memory_space<vmem>>, vector<128x1xf32>
    %dot_general3A_40 = arith.constant dense<0.000000e+00> : vector<2500x1xf32>
    %dot_general3A_41 = tpu.matmul %max3A_36, %get3A_39, %dot_general3A_40 {dimension_numbers = #tpu.dot_dimension_numbers<[1], [0], [0], [1], [0, 0, 1, 1], [], []>, transpose_lhs_hint = false} : vector<2500x128xf32>, vector<128x1xf32>, vector<2500x1xf32> -> vector<2500x1xf32>
    %get3A_42 = arith.constant 0 : index
    %get3A_43 = arith.constant 0 : index
    %get3A_44 = vector.load %arg7[%get3A_42, %get3A_43] : memref<1x1xf32, #tpu.memory_space<vmem>>, vector<1x1xf32>
    %add3A_45 = vector.broadcast %get3A_44 : vector<1x1xf32> to vector<2500x1xf32>
    %add3A_46 = arith.addf %dot_general3A_41, %add3A_45 : vector<2500x1xf32>
    %swap3A = arith.constant 0 : index
    %swap3A_47 = arith.constant 0 : index
    %swap3A_48 = vector.load %arg8[%swap3A, %swap3A_47] : memref<2500x1xf32, #tpu.memory_space<vmem>>, vector<2500x1xf32>
    tpu.vector_store %arg8[%swap3A, %swap3A_47], %add3A_46 {strides = array<i32>} : memref<2500x1xf32, #tpu.memory_space<vmem>>, vector<2500x1xf32>,
    return
  }
}

</mosaic_0001>

<sc_bundles>
// kernel: kernel.11.cloned.1.call-start
scs
__scs_entry_jumppad:
0x0: {  	(pc) =	sbr.rel $0x88, $3  }
0x1: {  	(tag) =	ssettag $0x0;
	lr =	simm.s32 $0x1  }
0x2: {  	[smem:$0x3F8C] =	sst lr;
	_ =	strace $0xD0000000  }
0x3: {  	_ = 	snop  }
0x4: {  	_ = 	snop  }
0x5: {  	_ = 	snop  }
0x6: {  	_ = 	snop  }
0x7: {  	_ = 	snop  }
__scs_overlays_trampoline_lowered:
0x8: {  	[smem:$0x3F9B] =	sst s0  }
0x9: {  	[smem:$0x3F9C] =	sst s1  }
0xa: {  	[smem:$0x3F9D] =	sst s2  }
0xb: {  	[smem:$0x3F9E] =	sst s3  }
0xc: {  	[smem:$0x3F9F] =	sst s4  }
0xd: {  	[smem:$0x3FA0] =	sst s5  }
0xe: {  	[smem:$0x3FA1] =	sst s6  }
0xf: {  	[smem:$0x3FA2] =	sst s7  }
0x10: {  	[smem:$0x3FA3] =	sst s8  }
0x11: {  	[smem:$0x3FA4] =	sst s9;
	s0 =	simm.s32 @!p0 $0x0  }
0x12: {  	s1 =	sld [smem:$0x3F8A];
	s0 =	simm.s32 @p0 $0x1  }
0x13: {  	[smem:$0x3FA5] =	sst s0;
	s0 =	simm.s32 @!p1 $0x0  }
0x14: {  	s2 =	sld [smem:$0x3F89];
	s0 =	simm.s32 @p1 $0x1  }
0x15: {  	[smem:$0x3FA6] =	sst s0;
	s0 =	simm.s32 @!p2 $0x0  }
0x16: {  	s3 =	sld [smem:$0x3FDB];
	s0 =	simm.s32 @p2 $0x1  }
0x17: {  	s4 =	simm.s32 $0x1BF5;
	[smem:$0x3FA8] =	sst s0  }
0x18: {  	s0 =	sld [smem:$0x3F8B];
	_ =	swait.ge [sflag:s4], $0x0  }
0x19: {  	s7 =	sld [smem:$0x3F8C]  }
0x1a: {  	s8 =	sadd.s32 $0xFFFFE003, lr  }
0x1b: {  	s9 =	sadd.s32 $0xFFFFFEF7, lr;
	s5 =	simm.s32 $0xFFFFFFFF;
	p2 =	slt.u32 s8, $0xFFFFF086  }
0x1c: {  	p1 =	slt.u32 s9, $0xF7A;
	s5 =	simm.s32 @!p2 $0x0  }
0x1d: {  	s5 =	simm.s32 @p1 $0x1;
	p0 =	seq.s32 s7, s2  }
0x1e: {  	s7 =	smul.u32 @!p0 $0xF7A, s2;
	p2 =	seq.s32 @!p0 s5, $0x0  }
0x1f: {  	s9 =	smul.u32 $0xF7A, s1;
	s8 =	simm.s32 @!p0 $0x1BF5;
	p2 =	por !p2, p0  }
0x20: {  	[sflag:s8] =	ssyncset.s32 @!p0 $0xFFFFF086;
	s6 =	sadd.s32 @!p0 s3, s7;
	s7 =	simm.s32 @!p0 $0x108  }
0x21: {  	s3 =	sadd.s32 s3, s9;
	s6 =	sadd.s32 @!p0 $0x88, s6;
	s7 =	simm.s32 @p2 $0x1082  }
0x22: {  	[simem:s7], [sflag:s8] =	dma.local @!p0 [hbm:s6], $0xF7A  }
0x23: {  	s9 =	sor.u32 $0xD0000000, s2;
	s6 =	simm.s32 $0x108;
	_ =	swait.ge @!p0 [sflag:s8], $0x0  }
0x24: {  	s3 =	sadd.s32 $0x88, s3;
	s6 =	simm.s32 @!p1 $0x1082;
	[sflag:s4] =	ssyncset.s32 $0xFFFFF086  }
0x25: {  	[simem:s6], [sflag:s4] =	dma.local [hbm:s3], $0xF7A  }
0x26: {  	[smem:$0x3F8C] =	sst s1;
	(tag) =	ssettag s2;
	_ =	strace s9  }
0x27: {  	s1 =	sld [smem:$0x3F9C]  }
0x28: {  	s2 =	sld [smem:$0x3F9D]  }
0x29: {  	s4 =	sld [smem:$0x3F9F]  }
0x2a: {  	p0 =	seq.s32 s5, $0x0;
	s5 =	sld [smem:$0x3FA0]  }
0x2b: {  	s6 =	sld [smem:$0x3FA1]  }
0x2c: {  	s7 =	sld [smem:$0x3FA2]  }
0x2d: {  	s3 =	simm.s32 $0x108;
	s8 =	sld [smem:$0x3FA3]  }
0x2e: {  	s3 =	simm.s32 @!p0 $0x1082;
	s9 =	sld [smem:$0x3FA4]  }
0x2f: {  	lr =	sadd.s32 s0, s3;
	s0 =	sld [smem:$0x3F9B]  }
0x30: {  	s3 =	sld [smem:$0x3F9E]  }
0x31: {  	[smem:$0x3FA7] =	sst s10  }
0x32: {  	s10 =	sld [smem:$0x3FA5];
	_ =	sdelay $0x3  }
0x33: {  	p0 =	seq.s32 s10, $0x1;
	s10 =	sld [smem:$0x3FA7];
	_ =	sdelay $0x3  }
0x34: {  	[smem:$0x3FA7] =	sst s10  }
0x35: {  	s10 =	sld [smem:$0x3FA6];
	_ =	sdelay $0x3  }
0x36: {  	p1 =	seq.s32 s10, $0x1;
	s10 =	sld [smem:$0x3FA7];
	_ =	sdelay $0x3  }
0x37: {  	[smem:$0x3FA7] =	sst s10  }
0x38: {  	s10 =	sld [smem:$0x3FA8]  }
0x39: {  	_ = 	snop;
	(pc) =	sbr.ind lr, $3  }
0x3a: {  	_ = 	snop  }
0x3b: {  	_ = 	snop  }
0x3c: {  	p2 =	seq.s32 s10, $0x1;
	s10 =	sld [smem:$0x3FA7]  }
0x3d: {  	_ =	shalt  }
0x3e: {  	_ =	shalt  }
0x3f: {  	_ =	shalt  }
0x40: {  	_ =	shalt  }
0x41: {  	_ =	shalt  }
0x42: {  	_ =	shalt  }
0x43: {  	_ =	shalt  }
0x44: {  	_ =	shalt  }
0x45: {  	_ =	shalt  }
0x46: {  	_ =	shalt  }
0x47: {  	_ =	shalt  }
0x48: {  	_ =	shalt  }
0x49: {  	_ =	shalt  }
0x4a: {  	_ =	shalt  }
0x4b: {  	_ =	shalt  }
0x4c: {  	_ =	shalt  }
0x4d: {  	_ =	shalt  }
0x4e: {  	_ =	shalt  }
0x4f: {  	_ =	shalt  }
0x50: {  	_ =	shalt  }
0x51: {  	_ =	shalt  }
0x52: {  	_ =	shalt  }
0x53: {  	_ =	shalt  }
0x54: {  	_ =	shalt  }
0x55: {  	_ =	shalt  }
0x56: {  	_ =	shalt  }
0x57: {  	_ =	shalt  }
0x58: {  	_ =	shalt  }
0x59: {  	_ =	shalt  }
0x5a: {  	_ =	shalt  }
0x5b: {  	_ =	shalt  }
0x5c: {  	_ =	shalt  }
0x5d: {  	_ =	shalt  }
0x5e: {  	_ =	shalt  }
0x5f: {  	_ =	shalt  }
0x60: {  	_ =	shalt  }
0x61: {  	_ =	shalt  }
0x62: {  	_ =	shalt  }
0x63: {  	_ =	shalt  }
0x64: {  	_ =	shalt  }
0x65: {  	_ =	shalt  }
0x66: {  	_ =	shalt  }
0x67: {  	_ =	shalt  }
0x68: {  	_ =	shalt  }
0x69: {  	_ =	shalt  }
0x6a: {  	_ =	shalt  }
0x6b: {  	_ =	shalt  }
0x6c: {  	_ =	shalt  }
0x6d: {  	_ =	shalt  }
0x6e: {  	_ =	shalt  }
0x6f: {  	_ =	shalt  }
0x70: {  	_ =	shalt  }
0x71: {  	_ =	shalt  }
0x72: {  	_ =	shalt  }
0x73: {  	_ =	shalt  }
0x74: {  	_ =	shalt  }
0x75: {  	_ =	shalt  }
0x76: {  	_ =	shalt  }
0x77: {  	_ =	shalt  }
0x78: {  	_ =	shalt  }
0x79: {  	_ =	shalt  }
0x7a: {  	_ =	shalt  }
0x7b: {  	_ =	shalt  }
0x7c: {  	_ =	shalt  }
0x7d: {  	_ =	shalt  }
0x7e: {  	_ =	shalt  }
0x7f: {  	_ =	shalt  }
0x80: {  	_ =	shalt  }
0x81: {  	_ =	shalt  }
0x82: {  	_ =	shalt  }
0x83: {  	_ =	shalt  }
0x84: {  	_ =	shalt  }
0x85: {  	_ =	shalt  }
0x86: {  	_ =	shalt  }
0x87: {  	_ =	shalt  }
.Lfunc_end0:
.L_simem_size_0:
called_computation.1_lowered:
.L_overlay_start_0:
0x88: {  	s2 =	sld [smem:$0x3FD9]  }
0x89: {  	s3 =	sld [smem:$0x3FFE];
	_ =	sdelay $0x1  }
0x8a: {  	s1 =	srdreg.scid  }
0x8b: {  	s0 =	sand.u32 $0x1, s1  }
0x8c: {  	s16 =	sshll.u32 s0, $0xA;
	s2 =	sadd.s32 s3, s2  }
0x8d: {  	s2 =	sadd.s32 s2, s16  }
0x8e: {  	[smem:$0x3FB3] =	sst s2  }
0x8f: {  	_ = 	snop  }
0x90: {  	(tm) =	ssettm $0x1  }
0x91: {  	s17 =	sld [smem:$0x3FFB];
	_ =	sdelay $0x3  }
0x92: {  	_ =	strace s17  }
0x93: {  	s2 =	sld [smem:$0x3FFC];
	_ =	sdelay $0x3  }
0x94: {  	_ =	strace s2  }
0x95: {  	s2 =	sld [smem:$0x3FFD];
	_ =	sdelay $0x3  }
0x96: {  	_ =	strace s2  }
0x97: {  	_ =	strace $0x8FFFFFFF  }
0x98: {  	s18 =	sld [smem:$0x3FDB];
	_ =	sdelay $0x1  }
0x99: {  	s19 =	simm.s32 $_scs_section_size  }
0x9a: {  	s4 =	simm.s32 $_size__tile_overlayer_lowered;
	s5 =	simm.s32 $_tile_overlayer_lowered  }
0x9b: {  	s22 =	simm.s32 $0x1BFF;
	s21 =	sshll.u32 s5, $0x1;
	s2 =	sadd.s32 s19, s18  }
0x9c: {  	s6 =	simm.s32 $0x0;
	s20 =	sshll.u32 s4, $0x1;
	s4 =	sadd.s32 s21, s2  }
0x9d: {  	[timem:s6], [sflag:s22] =	dma.local [hbm:s4], s20  }
0x9e: {  	_ =	swait.ge [sflag:s22], s20  }
0x9f: {  	s3 =	ssub.s32 $0x0, s20;
	[sflag:s22] =	ssyncset.done $0x0  }
0xa0: {  	[sflag:s22] =	ssyncadd.s32 s3;
	_ =	sdelay $0x1  }
0xa1: {  	s23 =	simm.s32 $0x1B8B  }
0xa2: {  	_ =	swait.ge [sflag:s23], $0x1  }
0xa3: {  	[sflag:s23] =	ssyncset.done $0x0  }
0xa4: {  	s25 =	simm.s32 $0x1B8E;
	s24 =	sld [smem:$0x3FFE];
	[sflag:s23] =	ssyncadd.s32 $0xFFFFFFFF  }
0xa5: {  	s26 =	simm.s32 $execute0_lowered;
	[smem:$0x3FD2] =	sst s25  }
0xa6: {  	s4 =	sshll.u32 s26, $0x1;
	_ =	strace $0x80000049;
	[dreg:$0x1] =	wrdreg $0xFFFFFFFF  }
0xa7: {  	s28 =	simm.s32 $_size_execute0_lowered;
	s2 =	sadd.s32 s2, s4;
	[dreg:$0x0] =	wrdreg $0x0  }
0xa8: {  	s4 =	sshll.u32 s28, $0x1;
	[dreg:$0x2] =	wrdreg s2  }
0xa9: {  	[dreg:$0x3] =	wrdreg s4  }
0xaa: {  	[dreg:$0x4] =	wrdreg $0xC0  }
0xab: {  	_ =	task [dreg:s6], $0x5FFFF  }
0xac: {  	[dreg:$0x1] =	wrdreg $0xFFFFFFFF  }
0xad: {  	[dreg:$0x0] =	wrdreg $0x60  }
0xae: {  	[dreg:$0x2] =	wrdreg s24  }
0xaf: {  	[dreg:$0x3] =	wrdreg $0x8A200  }
0xb0: {  	[dreg:$0x4] =	wrdreg $0x9  }
0xb1: {  	_ =	task.clear_ibuf [dreg:s6], $0x5FFFF;
	_ =	strace $0x90000049  }
0xb2: {  	s29 =	simm.s32 $0x9;
	_ =	strace $0x8000004B  }
0xb3: {  	_ =	swait.ge [sflag:s29], $0x1  }
0xb4: {  	[sflag:s29] =	ssyncadd.s32 $0xFFFFFFFF  }
0xb5: {  	_ =	strace $0x9000004B  }
0xb6: {  	_ =	sfence  }
0xb7: {  	s30 =	sld [smem:$0x0];
	_ =	sdelay $0x2  }
0xb8: {  	s31 =	sshll.u32 s1, $0xD;
	s1 =	sshrl.u32 s1, $0x2  }
0xb9: {  	s3 =	sand.u32 $0x4000, s31;
	s1 =	sadd.s32 s1, s30  }
0xba: {  	s0 =	sor.u32 s3, s0;
	s1 =	sshll.u32 s1, $0x11  }
0xbb: {  	s0 =	sor.u32 s1, s0  }
0xbc: {  	s0 =	sadd.s32 $0x8F2B, s0  }
0xbd: {  	[sflag:s0] =	ssyncadd.remote.s32 $0x1  }
0xbe: {  	_ =	sfence.sel $0xFFFF  }
0xbf: {  	[dreg:$0x0] =	wrdreg $0xFFFFFFFF;
	(pc) =	sbr.abs _section_cstart, $3  }
0xc0: {  	[dreg:$0x1] =	wrdreg $0xFFFFFFFF  }
0xc1: {  	_ =	task.clear_ibuf [dreg:s6], $0x2FFFF;
	_ =	strace $0x9FFFFFFF  }
0xc2: {  	(tm) =	ssettm $0x7FFFFFFF  }
0xc3: {  	_ =	shalt  }
tec
execute0_lowered:
.L_overlay_start_1:
0x0: {  	(tag) =	ssettag $0x1  }
0x1: {  	s0 =	rddreg [dreg:$0x0]  }
0x2: {  	s1 =	rddreg [dreg:$0x1]  }
0x3: {  	s3 =	simm.s32 $0x0;
	s2 =	srdreg.scid;
	s16 =	stileid.u32  }
0x4: {  	s17 =	simm.s32 $0x3;
	s28 =	simm.s32 $0x8210;
	s29 =	simm.s32 $0x10  }
0x5: {  	s30 =	simm.s32 $0x8220;
	s31 =	simm.s32 $0x0;
	[smem:$0x7FF] =	sst s3  }
0x6: {  	s4 =	sadd.s32 $0x2E00, s0;
	s2 =	sand.u32 $0x1, s2;
	s7 =	smul.u32 $0x50000, s16  }
0x7: {  	s6 =	sadd.s32 $0x38C00, s0;
	s13 =	sadd.s32 $0x2EE00, s0;
	s12 =	smul.u32 $0x14000, s16  }
0x8: {  	s19 =	smul.u32 $0x4E20, s16;
	s15 =	sadd.s32 $0x12C000, s1;
	p0 =	seq.s32 s16, $0xF  }
0x9: {  	s5 =	sshll.u32 s16, $0x1;
	_ =	strace $0x8000004A;
	s11 =	smul.u32 $0x138800, s2  }
0xa: {  	s5 =	sor.u32 s2, s5;
	s8 =	ssub.s32 $0x2, s2;
	s2 =	smul.u32 $0x2710, s2  }
0xb: {  	s15 =	sshrl.u32 @p0 s15, $0x3;
	s9 =	smul.u32 $0x2710, s5;
	s5 =	sadd.s32 $0x2A000, s0  }
0xc: {  	s10 =	sshrl.u32 s8, $0x1;
	s0 =	sadd.s32 $0x42A00, s0;
	s7 =	sshrl.u32 s7, $0x2  }
0xd: {  	s25 =	sadd.s32 s12, s1;
	s10 =	ssub.s32 s8, s10;
	s7 =	sadd.s32 s7, s1  }
0xe: {  	s20 =	sadd.s32 s12, s11;
	s2 =	sadd.s32 s2, s19;
	s22 =	sshrl.u32 s11, $0x3  }
0xf: {  	s19 =	simm.s32 $0x80;
	s25 =	sshrl.u32 @!p0 s25, $0x3;
	s18 =	sshrl.u32 s9, $0x3  }
0x10: {  	s21 =	sshrl.u32 s20, $0x3;
	s23 =	sadd.s32 $0x80, s2;
	s10 =	smax.u32 s10, $0x1  }
0x11: {  	s26 =	sshrl.u32 s2, $0x3;
	s16 =	sshrl.u32 @!p0 s7, $0x3;
	s20 =	simm.s32 $0x200  }
0x12: {  	s8 =	sadd.s32 $0x4E0, s18;
	s24 =	sshrl.u32 s23, $0x3;
	s18 =	simm.s32 $0x100  }
0x13: {  	s23 =	simm.s32 $0x1;
	s14 =	sadd.s32 s6, s8;
	s8 =	sadd.s32 s13, s8  }
0x14: {  	s11 =	sadd.s32 s24, s13;
	s12 =	sadd.s32 s24, s6;
	[dreg:$0x3] =	wrdreg s14  }
0x15: {  	s13 =	sadd.s32 s26, s13;
	s24 =	simm.s32 $0x2;
	[dreg:$0x4] =	wrdreg s8  }
0x16: {  	s8 =	sadd.s32 s0, s21;
	s0 =	sadd.s32 s0, s22;
	s14 =	sadd.s32 s26, s6  }
0x17: {  	s21 =	simm.s32 $0x180;
	[dreg:$0x5] =	wrdreg s8;
	s0 =	sadd.s32 $0x25800, s0  }
0x18: {  	s22 =	simm.s32 $0x4200;
	s26 =	simm.s32 $0x8200;
	[dreg:$0x6] =	wrdreg s0  }
.LBB2_1:
0x19: {  	s0 =	simm.s32 @p0 $0x1FC3  }
0x1a: {  	[spmem:s15], [sflag:s0] =	dma.local @p0 [hbm:s5], $0x2100  }
0x1b: {  	s0 =	simm.s32 @p0 $0x3  }
0x1c: {  	s2 =	stileid.u32;
	_ =	swait.ge @p0 [sflag:s0], $0x2100  }
0x1d: {  	s2 =	sshll.u32 @!p0 s2, $0x6;
	[sflag:s0] =	ssyncset.done @p0 $0x0  }
0x1e: {  	[sflag:s0] =	ssyncadd.s32 @p0 $0xFFFFDF00;
	s0 =	sor.u32 @!p0 $0x1C03, s2;
	s2 =	simm.s32 @!p0 $0x3  }
0x1f: {  	[spmem:s16], [sflag:s0] =	dma.local @!p0 [hbm:s5], $0x2800  }
0x20: {  	_ =	swait.ge @!p0 [sflag:s2], $0x2800  }
0x21: {  	[sflag:s2] =	ssyncset.done @!p0 $0x0  }
0x22: {  	[sflag:s2] =	ssyncadd.s32 @!p0 $0xFFFFD800  }
0x23: {  	s6 =	sadd.s32 $0x0, s14;
	[bflag:$0x0] =	sbarrier.arrive $0xFFFF  }
0x24: {  	[tilespmem:s3], [sflag:$0x3] =	stream.linear.gather [hbm4b:s6+s3], $0x80, $0x38;
	[tilespmem:$0x1C6A0] =	vst v63  }
0x25: {  	_ =	swait.ge [sflag:s17], $0x80  }
0x26: {  	[sflag:s17] =	ssyncset.done $0x0  }
0x27: {  	s7 =	sadd.s32 $0x0, s13;
	[sflag:s17] =	ssyncadd.s32 $0xFFFFFF80  }
0x28: {  	[tilespmem:s18], [sflag:$0x3] =	stream.linear.gather [hbm4b:s7+s3], $0x80, $0x38;
	[tilespmem:$0x1C6A0] =	vst v63  }
0x29: {  	_ =	swait.ge [sflag:s17], $0x80  }
0x2a: {  	[sflag:s17] =	ssyncset.done $0x0  }
0x2b: {  	[sflag:s17] =	ssyncadd.s32 $0xFFFFFF80  }
0x2c: {  	[tilespmem:s20], [sflag:$0x1] =	stream.indirect.gather [hbm4b:s4+s19], $0x80, s3, s19, $0xb8;
	[tilespmem:$0x1C6A0] =	vst v63  }
0x2d: {  	s8 =	sadd.s32 $0x0, s12  }
0x2e: {  	[tilespmem:s19], [sflag:$0x3] =	stream.linear.gather [hbm4b:s8+s3], $0x80, $0x38;
	[tilespmem:$0x1C6A0] =	vst v63  }
0x2f: {  	_ =	swait.ge [sflag:s17], $0x80  }
0x30: {  	[sflag:s17] =	ssyncset.done $0x0  }
0x31: {  	s9 =	sadd.s32 $0x0, s11;
	[sflag:s17] =	ssyncadd.s32 $0xFFFFFF80  }
0x32: {  	[tilespmem:s21], [sflag:$0x3] =	stream.linear.gather [hbm4b:s9+s3], $0x80, $0x38;
	[tilespmem:$0x1C6A0] =	vst v63  }
0x33: {  	_ =	swait.ge [sflag:s17], $0x80  }
0x34: {  	[sflag:s17] =	ssyncset.done $0x0  }
0x35: {  	[sflag:s17] =	ssyncadd.s32 $0xFFFFFF80  }
0x36: {  	[tilespmem:s22], [sflag:$0x2] =	stream.indirect.gather [hbm4b:s4+s19], $0x80, s19, s19, $0xb8;
	[tilespmem:$0x1C6A0] =	vst v63  }
0x37: {  	_ =	swait.ge [sflag:s23], $0x4000  }
0x38: {  	[sflag:s23] =	ssyncset.done $0x0  }
0x39: {  	[sflag:s23] =	ssyncadd.s32 $0xFFFFC000  }
0x3a: {  	[spmem:s1] =	stream.indirect.scatter.add.f32 [tilespmem:s20], [sflag:$0x3], $0x80, s18, s19, $0xb8;
	[tilespmem:$0x1C6A0] =	vst v63  }
0x3b: {  	_ =	swait.ge [sflag:s17], $0x4000  }
0x3c: {  	[sflag:s17] =	ssyncset.done $0x0  }
0x3d: {  	[sflag:s17] =	ssyncadd.s32 $0xFFFFC000  }
0x3e: {  	_ =	swait.ge [sflag:s24], $0x4000  }
0x3f: {  	[sflag:s24] =	ssyncset.done $0x0  }
0x40: {  	[sflag:s24] =	ssyncadd.s32 $0xFFFFC000  }
0x41: {  	[spmem:s1] =	stream.indirect.scatter.add.f32 [tilespmem:s22], [sflag:$0x3], $0x80, s21, s19, $0xb8;
	[tilespmem:$0x1C6A0] =	vst v63  }
0x42: {  	_ =	swait.ge [sflag:s17], $0x4000  }
0x43: {  	s2 =	simm.s32 $0x20;
	s6 =	simm.s32 $0x40;
	[sflag:s17] =	ssyncset.done $0x0  }
.LBB2_2:
0x44: {  	s8 =	sadd.s32 s2, s14  }
0x45: {  	[sflag:s17] =	ssyncadd.s32 $0xFFFFC000;
	s9 =	smov.u32 s6;
	s7 =	sadd.s32 $0x20, s6  }
0x46: {  	[tilespmem:s3], [sflag:$0x3] =	stream.linear.gather [hbm4b:s8+s3], $0x80, $0x38;
	[tilespmem:$0x1C6A0] =	vst v63  }
0x47: {  	p1 =	sne.s32 s6, $0x4C0;
	_ =	swait.ge [sflag:s17], $0x80  }
0x48: {  	[sflag:s17] =	ssyncset.done $0x0  }
0x49: {  	s6 =	sadd.s32 s2, s13;
	[sflag:s17] =	ssyncadd.s32 $0xFFFFFF80  }
0x4a: {  	[tilespmem:s18], [sflag:$0x3] =	stream.linear.gather [hbm4b:s6+s3], $0x80, $0x38;
	[tilespmem:$0x1C6A0] =	vst v63  }
0x4b: {  	_ =	swait.ge [sflag:s17], $0x80  }
0x4c: {  	[sflag:s17] =	ssyncset.done $0x0  }
0x4d: {  	[sflag:s17] =	ssyncadd.s32 $0xFFFFFF80  }
0x4e: {  	[tilespmem:s20], [sflag:$0x1] =	stream.indirect.gather [hbm4b:s4+s19], $0x80, s3, s19, $0xb8;
	[tilespmem:$0x1C6A0] =	vst v63  }
0x4f: {  	s6 =	sadd.s32 s2, s12  }
0x50: {  	[tilespmem:s19], [sflag:$0x3] =	stream.linear.gather [hbm4b:s6+s3], $0x80, $0x38;
	[tilespmem:$0x1C6A0] =	vst v63  }
0x51: {  	_ =	swait.ge [sflag:s17], $0x80  }
0x52: {  	[sflag:s17] =	ssyncset.done $0x0  }
0x53: {  	s6 =	sadd.s32 s2, s11;
	s2 =	smov.u32 s9;
	[sflag:s17] =	ssyncadd.s32 $0xFFFFFF80  }
0x54: {  	[tilespmem:s21], [sflag:$0x3] =	stream.linear.gather [hbm4b:s6+s3], $0x80, $0x38;
	[tilespmem:$0x1C6A0] =	vst v63  }
0x55: {  	_ =	swait.ge [sflag:s17], $0x80  }
0x56: {  	[sflag:s17] =	ssyncset.done $0x0  }
0x57: {  	[sflag:s17] =	ssyncadd.s32 $0xFFFFFF80  }
0x58: {  	[tilespmem:s22], [sflag:$0x2] =	stream.indirect.gather [hbm4b:s4+s19], $0x80, s19, s19, $0xb8;
	[tilespmem:$0x1C6A0] =	vst v63  }
0x59: {  	_ =	swait.ge [sflag:s23], $0x4000  }
0x5a: {  	[sflag:s23] =	ssyncset.done $0x0  }
0x5b: {  	[sflag:s23] =	ssyncadd.s32 $0xFFFFC000  }
0x5c: {  	[spmem:s1] =	stream.indirect.scatter.add.f32 [tilespmem:s20], [sflag:$0x3], $0x80, s18, s19, $0xb8;
	[tilespmem:$0x1C6A0] =	vst v63  }
0x5d: {  	_ =	swait.ge [sflag:s17], $0x4000  }
0x5e: {  	[sflag:s17] =	ssyncset.done $0x0  }
0x5f: {  	[sflag:s17] =	ssyncadd.s32 $0xFFFFC000  }
0x60: {  	_ =	swait.ge [sflag:s24], $0x4000  }
.Ltmp0:
0x61: {  	[sflag:s24] =	ssyncset.done $0x0;
	(pc) =	sbr.rel @p1 .LBB2_2-.Ltmp0, $4  }
0x62: {  	[sflag:s24] =	ssyncadd.s32 $0xFFFFC000  }
0x63: {  	[spmem:s1] =	stream.indirect.scatter.add.f32 [tilespmem:s22], [sflag:$0x3], $0x80, s21, s19, $0xb8;
	[tilespmem:$0x1C6A0] =	vst v63  }
0x64: {  	_ =	swait.ge [sflag:s17], $0x4000  }
0x65: {  	s6 =	smov.u32 s7;
	[sflag:s17] =	ssyncset.done $0x0  }
0x66: {  	s6 =	sadd.s32 s2, s14;
	[sflag:s17] =	ssyncadd.s32 $0xFFFFC000  }
0x67: {  	[tilespmem:s3], [sflag:$0x3] =	stream.linear.gather [hbm4b:s6+s3], $0x80, $0x38;
	[tilespmem:$0x1C6A0] =	vst v63  }
0x68: {  	_ =	swait.ge [sflag:s17], $0x80  }
0x69: {  	[sflag:s17] =	ssyncset.done $0x0  }
0x6a: {  	s8 =	sadd.s32 s2, s13;
	[sflag:s17] =	ssyncadd.s32 $0xFFFFFF80  }
0x6b: {  	[tilespmem:s18], [sflag:$0x3] =	stream.linear.gather [hbm4b:s8+s3], $0x80, $0x38;
	[tilespmem:$0x1C6A0] =	vst v63  }
0x6c: {  	_ =	swait.ge [sflag:s17], $0x80  }
0x6d: {  	[sflag:s17] =	ssyncset.done $0x0  }
0x6e: {  	[sflag:s17] =	ssyncadd.s32 $0xFFFFFF80  }
0x6f: {  	[tilespmem:s20], [sflag:$0x1] =	stream.indirect.gather [hbm4b:s4+s19], $0x80, s3, s19, $0xb8;
	[tilespmem:$0x1C6A0] =	vst v63  }
0x70: {  	s9 =	sadd.s32 s2, s12  }
0x71: {  	[tilespmem:s19], [sflag:$0x3] =	stream.linear.gather [hbm4b:s9+s3], $0x80, $0x38;
	[tilespmem:$0x1C6A0] =	vst v63  }
0x72: {  	_ =	swait.ge [sflag:s17], $0x80  }
0x73: {  	[sflag:s17] =	ssyncset.done $0x0  }
0x74: {  	s7 =	sadd.s32 s2, s11;
	[sflag:s17] =	ssyncadd.s32 $0xFFFFFF80  }
0x75: {  	[tilespmem:s21], [sflag:$0x3] =	stream.linear.gather [hbm4b:s7+s3], $0x80, $0x38;
	[tilespmem:$0x1C6A0] =	vst v63  }
0x76: {  	_ =	swait.ge [sflag:s17], $0x80  }
0x77: {  	[sflag:s17] =	ssyncset.done $0x0  }
0x78: {  	[sflag:s17] =	ssyncadd.s32 $0xFFFFFF80  }
0x79: {  	[tilespmem:s22], [sflag:$0x2] =	stream.indirect.gather [hbm4b:s4+s19], $0x80, s19, s19, $0xb8;
	[tilespmem:$0x1C6A0] =	vst v63  }
0x7a: {  	_ =	swait.ge [sflag:s23], $0x4000  }
0x7b: {  	[sflag:s23] =	ssyncset.done $0x0  }
0x7c: {  	[sflag:s23] =	ssyncadd.s32 $0xFFFFC000  }
0x7d: {  	[spmem:s1] =	stream.indirect.scatter.add.f32 [tilespmem:s20], [sflag:$0x3], $0x80, s18, s19, $0xb8;
	[tilespmem:$0x1C6A0] =	vst v63  }
0x7e: {  	_ =	swait.ge [sflag:s17], $0x4000  }
0x7f: {  	[sflag:s17] =	ssyncset.done $0x0  }
0x80: {  	[sflag:s17] =	ssyncadd.s32 $0xFFFFC000  }
0x81: {  	_ =	swait.ge [sflag:s24], $0x4000  }
0x82: {  	[sflag:s24] =	ssyncset.done $0x0  }
0x83: {  	[sflag:s24] =	ssyncadd.s32 $0xFFFFC000  }
0x84: {  	[spmem:s1] =	stream.indirect.scatter.add.f32 [tilespmem:s22], [sflag:$0x3], $0x80, s21, s19, $0xb8;
	[tilespmem:$0x1C6A0] =	vst v63  }
0x85: {  	_ =	swait.ge [sflag:s17], $0x4000  }
0x86: {  	[sflag:s17] =	ssyncset.done $0x0  }
0x87: {  	s8 =	rddreg [dreg:$0x3];
	[sflag:s17] =	ssyncadd.s32 $0xFFFFC000  }
0x88: {  	[tilespmem:s26], [sflag:$0x3] =	stream.linear.gather [hbm4b:s8+s3], $0x10, $0x38;
	[tilespmem:$0x1C6A0] =	vst v63  }
0x89: {  	_ =	swait.ge [sflag:s17], $0x10  }
0x8a: {  	[sflag:s17] =	ssyncset.done $0x0  }
0x8b: {  	s9 =	rddreg [dreg:$0x4];
	[sflag:s17] =	ssyncadd.s32 $0xFFFFFFF0  }
0x8c: {  	[tilespmem:s28], [sflag:$0x3] =	stream.linear.gather [hbm4b:s9+s3], $0x10, $0x38;
	[tilespmem:$0x1C6A0] =	vst v63  }
0x8d: {  	_ =	swait.ge [sflag:s17], $0x10  }
0x8e: {  	[sflag:s17] =	ssyncset.done $0x0  }
0x8f: {  	[sflag:s17] =	ssyncadd.s32 $0xFFFFFFF0  }
0x90: {  	[tilespmem:s30], [sflag:$0x1] =	stream.indirect.gather [hbm4b:s4+s29], $0x80, s26, s29, $0xb8;
	[tilespmem:$0x1C6A0] =	vst v63  }
0x91: {  	_ =	swait.ge [sflag:s23], $0x800  }
0x92: {  	[sflag:s23] =	ssyncset.done $0x0  }
0x93: {  	[sflag:s23] =	ssyncadd.s32 $0xFFFFF800  }
0x94: {  	[spmem:s1] =	stream.indirect.scatter.add.f32 [tilespmem:s30], [sflag:$0x3], $0x80, s28, s29, $0xb8;
	[tilespmem:$0x1C6A0] =	vst v63  }
0x95: {  	_ =	swait.ge [sflag:s17], $0x800  }
0x96: {  	[sflag:s17] =	ssyncset.done $0x0  }
0x97: {  	[sflag:s17] =	ssyncadd.s32 $0xFFFFF800  }
0x98: {  	[bflag:$0x0] =	sbarrier.arrive $0xFFFF  }
0x99: {  	s2 =	simm.s32 @p0 $0x1FC3;
	s6 =	rddreg [dreg:$0x6]  }
0x9a: {  	[hbm:s6], [sflag:s2] =	dma.local @p0 [spmem:s15], $0x1900  }
0x9b: {  	s2 =	simm.s32 @p0 $0x3  }
0x9c: {  	_ =	swait.ge @p0 [sflag:s2], $0x1900  }
0x9d: {  	s31 =	sadd.s32 $0x1, s31;
	[sflag:s2] =	ssyncset.done @p0 $0x0  }
0x9e: {  	p1 =	sne.s32 s31, s10;
	[sflag:s2] =	ssyncadd.s32 @p0 $0xFFFFE700;
	s2 =	rddreg [dreg:$0x5]  }
0x9f: {  	[hbm:s2], [sflag:s0] =	dma.local @!p0 [spmem:s25], $0x2800  }
.Ltmp1:
0xa0: {  	_ = 	snop;
	(pc) =	sbr.rel @p1 .LBB2_1-.Ltmp1, $4  }
0xa1: {  	s0 =	simm.s32 @!p0 $0x3  }
0xa2: {  	_ =	swait.ge @!p0 [sflag:s0], $0x2800  }
0xa3: {  	[sflag:s0] =	ssyncset.done @!p0 $0x0  }
0xa4: {  	[sflag:s0] =	ssyncadd.s32 @!p0 $0xFFFFD800  }
0xa5: {  	_ =	sfence.sel $0x180000  }
0xa6: {  	[bflag:$0x0] =	sbarrier.arrive $0xFFFF  }
0xa7: {  	_ =	strace $0x9000004A  }
0xa8: {  	s0 =	stileid.u32;
	[bflag:$0x2] =	sbarrier.arrive $0xFFFF  }
0xa9: {  	p0 =	sne.s32 s0, $0x0;
	s0 =	rddreg [dreg:$0x2]  }
0xaa: {  	s0 =	sadd.s32 @!p0 $0x100000, s0  }
0xab: {  	[sflag:s0] =	ssyncadd.tile.s32 @!p0 $0x1;
	_ =	shalt  }
.Lfunc_end2:
_tile_overlayer_lowered:
.L_overlay_start_2:
0xac: {  	(tag) =	ssettag $0x2  }
0xad: {  	s0 =	rddreg [dreg:$0x0];
	s2 =	stileid.u32  }
0xae: {  	s1 =	rddreg [dreg:$0x1];
	p0 =	sne.s32 s2, $0x0  }
0xaf: {  	s3 =	rddreg [dreg:$0x2];
	[bflag:$0x3] =	sbarrier.arrive $0xFFFF;
	s2 =	simm.s32 @!p0 $0x1C03  }
0xb0: {  	[timem:s3], [sflag:s2] =	dma.local @!p0 [hbm:s0], s1  }
0xb1: {  	s0 =	simm.s32 @!p0 $0x3  }
0xb2: {  	_ =	swait.ge @!p0 [sflag:s0], s1  }
0xb3: {  	s1 =	ssub.s32 @!p0 $0x0, s1;
	[sflag:s0] =	ssyncset.done @!p0 $0x0  }
0xb4: {  	[sflag:s0] =	ssyncadd.s32 @!p0 s1  }
0xb5: {  	[bflag:$0x3] =	sbarrier.arrive $0xFFFF  }
0xb6: {  	_ =	shalt  }

// kernel: kernel.14.cloned.1.call-start
scs
__scs_entry_jumppad:
0x0: {  	(pc) =	sbr.rel $0x88, $3  }
0x1: {  	(tag) =	ssettag $0x0;
	lr =	simm.s32 $0x1  }
0x2: {  	[smem:$0x3F8C] =	sst lr;
	_ =	strace $0xD0000000  }
0x3: {  	_ = 	snop  }
0x4: {  	_ = 	snop  }
0x5: {  	_ = 	snop  }
0x6: {  	_ = 	snop  }
0x7: {  	_ = 	snop  }
__scs_overlays_trampoline_lowered:
0x8: {  	[smem:$0x3F9B] =	sst s0  }
0x9: {  	[smem:$0x3F9C] =	sst s1  }
0xa: {  	[smem:$0x3F9D] =	sst s2  }
0xb: {  	[smem:$0x3F9E] =	sst s3  }
0xc: {  	[smem:$0x3F9F] =	sst s4  }
0xd: {  	[smem:$0x3FA0] =	sst s5  }
0xe: {  	[smem:$0x3FA1] =	sst s6  }
0xf: {  	[smem:$0x3FA2] =	sst s7  }
0x10: {  	[smem:$0x3FA3] =	sst s8  }
0x11: {  	[smem:$0x3FA4] =	sst s9;
	s0 =	simm.s32 @!p0 $0x0  }
0x12: {  	s1 =	sld [smem:$0x3F8A];
	s0 =	simm.s32 @p0 $0x1  }
0x13: {  	[smem:$0x3FA5] =	sst s0;
	s0 =	simm.s32 @!p1 $0x0  }
0x14: {  	s2 =	sld [smem:$0x3F89];
	s0 =	simm.s32 @p1 $0x1  }
0x15: {  	[smem:$0x3FA6] =	sst s0;
	s0 =	simm.s32 @!p2 $0x0  }
0x16: {  	s3 =	sld [smem:$0x3FDB];
	s0 =	simm.s32 @p2 $0x1  }
0x17: {  	s4 =	simm.s32 $0x1BF5;
	[smem:$0x3FA8] =	sst s0  }
0x18: {  	s0 =	sld [smem:$0x3F8B];
	_ =	swait.ge [sflag:s4], $0x0  }
0x19: {  	s7 =	sld [smem:$0x3F8C]  }
0x1a: {  	s8 =	sadd.s32 $0xFFFFE003, lr  }
0x1b: {  	s9 =	sadd.s32 $0xFFFFFEF7, lr;
	s5 =	simm.s32 $0xFFFFFFFF;
	p2 =	slt.u32 s8, $0xFFFFF086  }
0x1c: {  	p1 =	slt.u32 s9, $0xF7A;
	s5 =	simm.s32 @!p2 $0x0  }
0x1d: {  	s5 =	simm.s32 @p1 $0x1;
	p0 =	seq.s32 s7, s2  }
0x1e: {  	s7 =	smul.u32 @!p0 $0xF7A, s2;
	p2 =	seq.s32 @!p0 s5, $0x0  }
0x1f: {  	s9 =	smul.u32 $0xF7A, s1;
	s8 =	simm.s32 @!p0 $0x1BF5;
	p2 =	por !p2, p0  }
0x20: {  	[sflag:s8] =	ssyncset.s32 @!p0 $0xFFFFF086;
	s6 =	sadd.s32 @!p0 s3, s7;
	s7 =	simm.s32 @!p0 $0x108  }
0x21: {  	s3 =	sadd.s32 s3, s9;
	s6 =	sadd.s32 @!p0 $0x88, s6;
	s7 =	simm.s32 @p2 $0x1082  }
0x22: {  	[simem:s7], [sflag:s8] =	dma.local @!p0 [hbm:s6], $0xF7A  }
0x23: {  	s9 =	sor.u32 $0xD0000000, s2;
	s6 =	simm.s32 $0x108;
	_ =	swait.ge @!p0 [sflag:s8], $0x0  }
0x24: {  	s3 =	sadd.s32 $0x88, s3;
	s6 =	simm.s32 @!p1 $0x1082;
	[sflag:s4] =	ssyncset.s32 $0xFFFFF086  }
0x25: {  	[simem:s6], [sflag:s4] =	dma.local [hbm:s3], $0xF7A  }
0x26: {  	[smem:$0x3F8C] =	sst s1;
	(tag) =	ssettag s2;
	_ =	strace s9  }
0x27: {  	s1 =	sld [smem:$0x3F9C]  }
0x28: {  	s2 =	sld [smem:$0x3F9D]  }
0x29: {  	s4 =	sld [smem:$0x3F9F]  }
0x2a: {  	p0 =	seq.s32 s5, $0x0;
	s5 =	sld [smem:$0x3FA0]  }
0x2b: {  	s6 =	sld [smem:$0x3FA1]  }
0x2c: {  	s7 =	sld [smem:$0x3FA2]  }
0x2d: {  	s3 =	simm.s32 $0x108;
	s8 =	sld [smem:$0x3FA3]  }
0x2e: {  	s3 =	simm.s32 @!p0 $0x1082;
	s9 =	sld [smem:$0x3FA4]  }
0x2f: {  	lr =	sadd.s32 s0, s3;
	s0 =	sld [smem:$0x3F9B]  }
0x30: {  	s3 =	sld [smem:$0x3F9E]  }
0x31: {  	[smem:$0x3FA7] =	sst s10  }
0x32: {  	s10 =	sld [smem:$0x3FA5];
	_ =	sdelay $0x3  }
0x33: {  	p0 =	seq.s32 s10, $0x1;
	s10 =	sld [smem:$0x3FA7];
	_ =	sdelay $0x3  }
0x34: {  	[smem:$0x3FA7] =	sst s10  }
0x35: {  	s10 =	sld [smem:$0x3FA6];
	_ =	sdelay $0x3  }
0x36: {  	p1 =	seq.s32 s10, $0x1;
	s10 =	sld [smem:$0x3FA7];
	_ =	sdelay $0x3  }
0x37: {  	[smem:$0x3FA7] =	sst s10  }
0x38: {  	s10 =	sld [smem:$0x3FA8]  }
0x39: {  	_ = 	snop;
	(pc) =	sbr.ind lr, $3  }
0x3a: {  	_ = 	snop  }
0x3b: {  	_ = 	snop  }
0x3c: {  	p2 =	seq.s32 s10, $0x1;
	s10 =	sld [smem:$0x3FA7]  }
0x3d: {  	_ =	shalt  }
0x3e: {  	_ =	shalt  }
0x3f: {  	_ =	shalt  }
0x40: {  	_ =	shalt  }
0x41: {  	_ =	shalt  }
0x42: {  	_ =	shalt  }
0x43: {  	_ =	shalt  }
0x44: {  	_ =	shalt  }
0x45: {  	_ =	shalt  }
0x46: {  	_ =	shalt  }
0x47: {  	_ =	shalt  }
0x48: {  	_ =	shalt  }
0x49: {  	_ =	shalt  }
0x4a: {  	_ =	shalt  }
0x4b: {  	_ =	shalt  }
0x4c: {  	_ =	shalt  }
0x4d: {  	_ =	shalt  }
0x4e: {  	_ =	shalt  }
0x4f: {  	_ =	shalt  }
0x50: {  	_ =	shalt  }
0x51: {  	_ =	shalt  }
0x52: {  	_ =	shalt  }
0x53: {  	_ =	shalt  }
0x54: {  	_ =	shalt  }
0x55: {  	_ =	shalt  }
0x56: {  	_ =	shalt  }
0x57: {  	_ =	shalt  }
0x58: {  	_ =	shalt  }
0x59: {  	_ =	shalt  }
0x5a: {  	_ =	shalt  }
0x5b: {  	_ =	shalt  }
0x5c: {  	_ =	shalt  }
0x5d: {  	_ =	shalt  }
0x5e: {  	_ =	shalt  }
0x5f: {  	_ =	shalt  }
0x60: {  	_ =	shalt  }
0x61: {  	_ =	shalt  }
0x62: {  	_ =	shalt  }
0x63: {  	_ =	shalt  }
0x64: {  	_ =	shalt  }
0x65: {  	_ =	shalt  }
0x66: {  	_ =	shalt  }
0x67: {  	_ =	shalt  }
0x68: {  	_ =	shalt  }
0x69: {  	_ =	shalt  }
0x6a: {  	_ =	shalt  }
0x6b: {  	_ =	shalt  }
0x6c: {  	_ =	shalt  }
0x6d: {  	_ =	shalt  }
0x6e: {  	_ =	shalt  }
0x6f: {  	_ =	shalt  }
0x70: {  	_ =	shalt  }
0x71: {  	_ =	shalt  }
0x72: {  	_ =	shalt  }
0x73: {  	_ =	shalt  }
0x74: {  	_ =	shalt  }
0x75: {  	_ =	shalt  }
0x76: {  	_ =	shalt  }
0x77: {  	_ =	shalt  }
0x78: {  	_ =	shalt  }
0x79: {  	_ =	shalt  }
0x7a: {  	_ =	shalt  }
0x7b: {  	_ =	shalt  }
0x7c: {  	_ =	shalt  }
0x7d: {  	_ =	shalt  }
0x7e: {  	_ =	shalt  }
0x7f: {  	_ =	shalt  }
0x80: {  	_ =	shalt  }
0x81: {  	_ =	shalt  }
0x82: {  	_ =	shalt  }
0x83: {  	_ =	shalt  }
0x84: {  	_ =	shalt  }
0x85: {  	_ =	shalt  }
0x86: {  	_ =	shalt  }
0x87: {  	_ =	shalt  }
.Lfunc_end0:
.L_simem_size_0:
called_computation.2_lowered:
.L_overlay_start_0:
0x88: {  	s2 =	sld [smem:$0x3FD9]  }
0x89: {  	s3 =	sld [smem:$0x3FFE];
	_ =	sdelay $0x1  }
0x8a: {  	s1 =	srdreg.scid  }
0x8b: {  	s0 =	sand.u32 $0x1, s1  }
0x8c: {  	s16 =	sshll.u32 s0, $0xA;
	s2 =	sadd.s32 s3, s2  }
0x8d: {  	s2 =	sadd.s32 s2, s16  }
0x8e: {  	[smem:$0x3FB3] =	sst s2  }
0x8f: {  	_ = 	snop  }
0x90: {  	(tm) =	ssettm $0x1  }
0x91: {  	s17 =	sld [smem:$0x3FFB];
	_ =	sdelay $0x3  }
0x92: {  	_ =	strace s17  }
0x93: {  	s2 =	sld [smem:$0x3FFC];
	_ =	sdelay $0x3  }
0x94: {  	_ =	strace s2  }
0x95: {  	s2 =	sld [smem:$0x3FFD];
	_ =	sdelay $0x3  }
0x96: {  	_ =	strace s2  }
0x97: {  	_ =	strace $0x8FFFFFFF  }
0x98: {  	s18 =	sld [smem:$0x3FDB];
	_ =	sdelay $0x1  }
0x99: {  	s19 =	simm.s32 $_scs_section_size  }
0x9a: {  	s4 =	simm.s32 $_size__tile_overlayer_lowered;
	s5 =	simm.s32 $_tile_overlayer_lowered  }
0x9b: {  	s22 =	simm.s32 $0x1BFF;
	s21 =	sshll.u32 s5, $0x1;
	s2 =	sadd.s32 s19, s18  }
0x9c: {  	s6 =	simm.s32 $0x0;
	s20 =	sshll.u32 s4, $0x1;
	s4 =	sadd.s32 s21, s2  }
0x9d: {  	[timem:s6], [sflag:s22] =	dma.local [hbm:s4], s20  }
0x9e: {  	_ =	swait.ge [sflag:s22], s20  }
0x9f: {  	s3 =	ssub.s32 $0x0, s20;
	[sflag:s22] =	ssyncset.done $0x0  }
0xa0: {  	[sflag:s22] =	ssyncadd.s32 s3;
	_ =	sdelay $0x1  }
0xa1: {  	s23 =	simm.s32 $0x1B8B  }
0xa2: {  	_ =	swait.ge [sflag:s23], $0x1  }
0xa3: {  	[sflag:s23] =	ssyncset.done $0x0  }
0xa4: {  	s25 =	simm.s32 $0x1B8E;
	s24 =	sld [smem:$0x3FFE];
	[sflag:s23] =	ssyncadd.s32 $0xFFFFFFFF  }
0xa5: {  	s26 =	simm.s32 $execute0_lowered;
	[smem:$0x3FD2] =	sst s25  }
0xa6: {  	s4 =	sshll.u32 s26, $0x1;
	_ =	strace $0x8000004C;
	[dreg:$0x1] =	wrdreg $0xFFFFFFFF  }
0xa7: {  	s28 =	simm.s32 $_size_execute0_lowered;
	s2 =	sadd.s32 s2, s4;
	[dreg:$0x0] =	wrdreg $0x0  }
0xa8: {  	s4 =	sshll.u32 s28, $0x1;
	[dreg:$0x2] =	wrdreg s2  }
0xa9: {  	[dreg:$0x3] =	wrdreg s4  }
0xaa: {  	[dreg:$0x4] =	wrdreg $0xC0  }
0xab: {  	_ =	task [dreg:s6], $0x5FFFF  }
0xac: {  	[dreg:$0x1] =	wrdreg $0xFFFFFFFF  }
0xad: {  	[dreg:$0x0] =	wrdreg $0x60  }
0xae: {  	[dreg:$0x2] =	wrdreg s24  }
0xaf: {  	[dreg:$0x3] =	wrdreg $0x8A200  }
0xb0: {  	[dreg:$0x4] =	wrdreg $0x9  }
0xb1: {  	_ =	task.clear_ibuf [dreg:s6], $0x5FFFF;
	_ =	strace $0x9000004C  }
0xb2: {  	s29 =	simm.s32 $0x9;
	_ =	strace $0x8000004E  }
0xb3: {  	_ =	swait.ge [sflag:s29], $0x1  }
0xb4: {  	[sflag:s29] =	ssyncadd.s32 $0xFFFFFFFF  }
0xb5: {  	_ =	strace $0x9000004E  }
0xb6: {  	_ =	sfence  }
0xb7: {  	s30 =	sld [smem:$0x0];
	_ =	sdelay $0x2  }
0xb8: {  	s31 =	sshll.u32 s1, $0xD;
	s1 =	sshrl.u32 s1, $0x2  }
0xb9: {  	s3 =	sand.u32 $0x4000, s31;
	s1 =	sadd.s32 s1, s30  }
0xba: {  	s0 =	sor.u32 s3, s0;
	s1 =	sshll.u32 s1, $0x11  }
0xbb: {  	s0 =	sor.u32 s1, s0  }
0xbc: {  	s0 =	sadd.s32 $0x8F2B, s0  }
0xbd: {  	[sflag:s0] =	ssyncadd.remote.s32 $0x1  }
0xbe: {  	_ =	sfence.sel $0xFFFF  }
0xbf: {  	[dreg:$0x0] =	wrdreg $0xFFFFFFFF;
	(pc) =	sbr.abs _section_cstart, $3  }
0xc0: {  	[dreg:$0x1] =	wrdreg $0xFFFFFFFF  }
0xc1: {  	_ =	task.clear_ibuf [dreg:s6], $0x2FFFF;
	_ =	strace $0x9FFFFFFF  }
0xc2: {  	(tm) =	ssettm $0x7FFFFFFF  }
0xc3: {  	_ =	shalt  }
tec
execute0_lowered:
.L_overlay_start_1:
0x0: {  	(tag) =	ssettag $0x1  }
0x1: {  	s0 =	rddreg [dreg:$0x0]  }
0x2: {  	s1 =	rddreg [dreg:$0x1]  }
0x3: {  	s3 =	simm.s32 $0x0;
	s2 =	srdreg.scid;
	s16 =	stileid.u32  }
0x4: {  	s17 =	simm.s32 $0x3;
	s28 =	simm.s32 $0x8210;
	s29 =	simm.s32 $0x10  }
0x5: {  	s30 =	simm.s32 $0x8220;
	s31 =	simm.s32 $0x0;
	[smem:$0x7FF] =	sst s3  }
0x6: {  	s4 =	sadd.s32 $0x2E00, s0;
	s2 =	sand.u32 $0x1, s2;
	s7 =	smul.u32 $0x50000, s16  }
0x7: {  	s6 =	sadd.s32 $0x38C00, s0;
	s13 =	sadd.s32 $0x2EE00, s0;
	s12 =	smul.u32 $0x14000, s16  }
0x8: {  	s19 =	smul.u32 $0x4E20, s16;
	s15 =	sadd.s32 $0x12C000, s1;
	p0 =	seq.s32 s16, $0xF  }
0x9: {  	s5 =	sshll.u32 s16, $0x1;
	_ =	strace $0x8000004D;
	s11 =	smul.u32 $0x138800, s2  }
0xa: {  	s5 =	sor.u32 s2, s5;
	s8 =	ssub.s32 $0x2, s2;
	s2 =	smul.u32 $0x2710, s2  }
0xb: {  	s15 =	sshrl.u32 @p0 s15, $0x3;
	s9 =	smul.u32 $0x2710, s5;
	s5 =	sadd.s32 $0x2A000, s0  }
0xc: {  	s10 =	sshrl.u32 s8, $0x1;
	s0 =	sadd.s32 $0x42A00, s0;
	s7 =	sshrl.u32 s7, $0x2  }
0xd: {  	s25 =	sadd.s32 s12, s1;
	s10 =	ssub.s32 s8, s10;
	s7 =	sadd.s32 s7, s1  }
0xe: {  	s20 =	sadd.s32 s12, s11;
	s2 =	sadd.s32 s2, s19;
	s22 =	sshrl.u32 s11, $0x3  }
0xf: {  	s19 =	simm.s32 $0x80;
	s25 =	sshrl.u32 @!p0 s25, $0x3;
	s18 =	sshrl.u32 s9, $0x3  }
0x10: {  	s21 =	sshrl.u32 s20, $0x3;
	s23 =	sadd.s32 $0x80, s2;
	s10 =	smax.u32 s10, $0x1  }
0x11: {  	s26 =	sshrl.u32 s2, $0x3;
	s16 =	sshrl.u32 @!p0 s7, $0x3;
	s20 =	simm.s32 $0x200  }
0x12: {  	s8 =	sadd.s32 $0x4E0, s18;
	s24 =	sshrl.u32 s23, $0x3;
	s18 =	simm.s32 $0x100  }
0x13: {  	s23 =	simm.s32 $0x1;
	s14 =	sadd.s32 s6, s8;
	s8 =	sadd.s32 s13, s8  }
0x14: {  	s11 =	sadd.s32 s24, s13;
	s12 =	sadd.s32 s24, s6;
	[dreg:$0x3] =	wrdreg s14  }
0x15: {  	s13 =	sadd.s32 s26, s13;
	s24 =	simm.s32 $0x2;
	[dreg:$0x4] =	wrdreg s8  }
0x16: {  	s8 =	sadd.s32 s0, s21;
	s0 =	sadd.s32 s0, s22;
	s14 =	sadd.s32 s26, s6  }
0x17: {  	s21 =	simm.s32 $0x180;
	[dreg:$0x5] =	wrdreg s8;
	s0 =	sadd.s32 $0x25800, s0  }
0x18: {  	s22 =	simm.s32 $0x4200;
	s26 =	simm.s32 $0x8200;
	[dreg:$0x6] =	wrdreg s0  }
.LBB2_1:
0x19: {  	s0 =	simm.s32 @p0 $0x1FC3  }
0x1a: {  	[spmem:s15], [sflag:s0] =	dma.local @p0 [hbm:s5], $0x2100  }
0x1b: {  	s0 =	simm.s32 @p0 $0x3  }
0x1c: {  	s2 =	stileid.u32;
	_ =	swait.ge @p0 [sflag:s0], $0x2100  }
0x1d: {  	s2 =	sshll.u32 @!p0 s2, $0x6;
	[sflag:s0] =	ssyncset.done @p0 $0x0  }
0x1e: {  	[sflag:s0] =	ssyncadd.s32 @p0 $0xFFFFDF00;
	s0 =	sor.u32 @!p0 $0x1C03, s2;
	s2 =	simm.s32 @!p0 $0x3  }
0x1f: {  	[spmem:s16], [sflag:s0] =	dma.local @!p0 [hbm:s5], $0x2800  }
0x20: {  	_ =	swait.ge @!p0 [sflag:s2], $0x2800  }
0x21: {  	[sflag:s2] =	ssyncset.done @!p0 $0x0  }
0x22: {  	[sflag:s2] =	ssyncadd.s32 @!p0 $0xFFFFD800  }
0x23: {  	s6 =	sadd.s32 $0x0, s14;
	[bflag:$0x0] =	sbarrier.arrive $0xFFFF  }
0x24: {  	[tilespmem:s3], [sflag:$0x3] =	stream.linear.gather [hbm4b:s6+s3], $0x80, $0x38;
	[tilespmem:$0x1C6A0] =	vst v63  }
0x25: {  	_ =	swait.ge [sflag:s17], $0x80  }
0x26: {  	[sflag:s17] =	ssyncset.done $0x0  }
0x27: {  	s7 =	sadd.s32 $0x0, s13;
	[sflag:s17] =	ssyncadd.s32 $0xFFFFFF80  }
0x28: {  	[tilespmem:s18], [sflag:$0x3] =	stream.linear.gather [hbm4b:s7+s3], $0x80, $0x38;
	[tilespmem:$0x1C6A0] =	vst v63  }
0x29: {  	_ =	swait.ge [sflag:s17], $0x80  }
0x2a: {  	[sflag:s17] =	ssyncset.done $0x0  }
0x2b: {  	[sflag:s17] =	ssyncadd.s32 $0xFFFFFF80  }
0x2c: {  	[tilespmem:s20], [sflag:$0x1] =	stream.indirect.gather [hbm4b:s4+s19], $0x80, s3, s19, $0xb8;
	[tilespmem:$0x1C6A0] =	vst v63  }
0x2d: {  	s8 =	sadd.s32 $0x0, s12  }
0x2e: {  	[tilespmem:s19], [sflag:$0x3] =	stream.linear.gather [hbm4b:s8+s3], $0x80, $0x38;
	[tilespmem:$0x1C6A0] =	vst v63  }
0x2f: {  	_ =	swait.ge [sflag:s17], $0x80  }
0x30: {  	[sflag:s17] =	ssyncset.done $0x0  }
0x31: {  	s9 =	sadd.s32 $0x0, s11;
	[sflag:s17] =	ssyncadd.s32 $0xFFFFFF80  }
0x32: {  	[tilespmem:s21], [sflag:$0x3] =	stream.linear.gather [hbm4b:s9+s3], $0x80, $0x38;
	[tilespmem:$0x1C6A0] =	vst v63  }
0x33: {  	_ =	swait.ge [sflag:s17], $0x80  }
0x34: {  	[sflag:s17] =	ssyncset.done $0x0  }
0x35: {  	[sflag:s17] =	ssyncadd.s32 $0xFFFFFF80  }
0x36: {  	[tilespmem:s22], [sflag:$0x2] =	stream.indirect.gather [hbm4b:s4+s19], $0x80, s19, s19, $0xb8;
	[tilespmem:$0x1C6A0] =	vst v63  }
0x37: {  	_ =	swait.ge [sflag:s23], $0x4000  }
0x38: {  	[sflag:s23] =	ssyncset.done $0x0  }
0x39: {  	[sflag:s23] =	ssyncadd.s32 $0xFFFFC000  }
0x3a: {  	[spmem:s1] =	stream.indirect.scatter.add.f32 [tilespmem:s20], [sflag:$0x3], $0x80, s18, s19, $0xb8;
	[tilespmem:$0x1C6A0] =	vst v63  }
0x3b: {  	_ =	swait.ge [sflag:s17], $0x4000  }
0x3c: {  	[sflag:s17] =	ssyncset.done $0x0  }
0x3d: {  	[sflag:s17] =	ssyncadd.s32 $0xFFFFC000  }
0x3e: {  	_ =	swait.ge [sflag:s24], $0x4000  }
0x3f: {  	[sflag:s24] =	ssyncset.done $0x0  }
0x40: {  	[sflag:s24] =	ssyncadd.s32 $0xFFFFC000  }
0x41: {  	[spmem:s1] =	stream.indirect.scatter.add.f32 [tilespmem:s22], [sflag:$0x3], $0x80, s21, s19, $0xb8;
	[tilespmem:$0x1C6A0] =	vst v63  }
0x42: {  	_ =	swait.ge [sflag:s17], $0x4000  }
0x43: {  	s2 =	simm.s32 $0x20;
	s6 =	simm.s32 $0x40;
	[sflag:s17] =	ssyncset.done $0x0  }
.LBB2_2:
0x44: {  	s8 =	sadd.s32 s2, s14  }
0x45: {  	[sflag:s17] =	ssyncadd.s32 $0xFFFFC000;
	s9 =	smov.u32 s6;
	s7 =	sadd.s32 $0x20, s6  }
0x46: {  	[tilespmem:s3], [sflag:$0x3] =	stream.linear.gather [hbm4b:s8+s3], $0x80, $0x38;
	[tilespmem:$0x1C6A0] =	vst v63  }
0x47: {  	p1 =	sne.s32 s6, $0x4C0;
	_ =	swait.ge [sflag:s17], $0x80  }
0x48: {  	[sflag:s17] =	ssyncset.done $0x0  }
0x49: {  	s6 =	sadd.s32 s2, s13;
	[sflag:s17] =	ssyncadd.s32 $0xFFFFFF80  }
0x4a: {  	[tilespmem:s18], [sflag:$0x3] =	stream.linear.gather [hbm4b:s6+s3], $0x80, $0x38;
	[tilespmem:$0x1C6A0] =	vst v63  }
0x4b: {  	_ =	swait.ge [sflag:s17], $0x80  }
0x4c: {  	[sflag:s17] =	ssyncset.done $0x0  }
0x4d: {  	[sflag:s17] =	ssyncadd.s32 $0xFFFFFF80  }
0x4e: {  	[tilespmem:s20], [sflag:$0x1] =	stream.indirect.gather [hbm4b:s4+s19], $0x80, s3, s19, $0xb8;
	[tilespmem:$0x1C6A0] =	vst v63  }
0x4f: {  	s6 =	sadd.s32 s2, s12  }
0x50: {  	[tilespmem:s19], [sflag:$0x3] =	stream.linear.gather [hbm4b:s6+s3], $0x80, $0x38;
	[tilespmem:$0x1C6A0] =	vst v63  }
0x51: {  	_ =	swait.ge [sflag:s17], $0x80  }
0x52: {  	[sflag:s17] =	ssyncset.done $0x0  }
0x53: {  	s6 =	sadd.s32 s2, s11;
	s2 =	smov.u32 s9;
	[sflag:s17] =	ssyncadd.s32 $0xFFFFFF80  }
0x54: {  	[tilespmem:s21], [sflag:$0x3] =	stream.linear.gather [hbm4b:s6+s3], $0x80, $0x38;
	[tilespmem:$0x1C6A0] =	vst v63  }
0x55: {  	_ =	swait.ge [sflag:s17], $0x80  }
0x56: {  	[sflag:s17] =	ssyncset.done $0x0  }
0x57: {  	[sflag:s17] =	ssyncadd.s32 $0xFFFFFF80  }
0x58: {  	[tilespmem:s22], [sflag:$0x2] =	stream.indirect.gather [hbm4b:s4+s19], $0x80, s19, s19, $0xb8;
	[tilespmem:$0x1C6A0] =	vst v63  }
0x59: {  	_ =	swait.ge [sflag:s23], $0x4000  }
0x5a: {  	[sflag:s23] =	ssyncset.done $0x0  }
0x5b: {  	[sflag:s23] =	ssyncadd.s32 $0xFFFFC000  }
0x5c: {  	[spmem:s1] =	stream.indirect.scatter.add.f32 [tilespmem:s20], [sflag:$0x3], $0x80, s18, s19, $0xb8;
	[tilespmem:$0x1C6A0] =	vst v63  }
0x5d: {  	_ =	swait.ge [sflag:s17], $0x4000  }
0x5e: {  	[sflag:s17] =	ssyncset.done $0x0  }
0x5f: {  	[sflag:s17] =	ssyncadd.s32 $0xFFFFC000  }
0x60: {  	_ =	swait.ge [sflag:s24], $0x4000  }
.Ltmp0:
0x61: {  	[sflag:s24] =	ssyncset.done $0x0;
	(pc) =	sbr.rel @p1 .LBB2_2-.Ltmp0, $4  }
0x62: {  	[sflag:s24] =	ssyncadd.s32 $0xFFFFC000  }
0x63: {  	[spmem:s1] =	stream.indirect.scatter.add.f32 [tilespmem:s22], [sflag:$0x3], $0x80, s21, s19, $0xb8;
	[tilespmem:$0x1C6A0] =	vst v63  }
0x64: {  	_ =	swait.ge [sflag:s17], $0x4000  }
0x65: {  	s6 =	smov.u32 s7;
	[sflag:s17] =	ssyncset.done $0x0  }
0x66: {  	s6 =	sadd.s32 s2, s14;
	[sflag:s17] =	ssyncadd.s32 $0xFFFFC000  }
0x67: {  	[tilespmem:s3], [sflag:$0x3] =	stream.linear.gather [hbm4b:s6+s3], $0x80, $0x38;
	[tilespmem:$0x1C6A0] =	vst v63  }
0x68: {  	_ =	swait.ge [sflag:s17], $0x80  }
0x69: {  	[sflag:s17] =	ssyncset.done $0x0  }
0x6a: {  	s8 =	sadd.s32 s2, s13;
	[sflag:s17] =	ssyncadd.s32 $0xFFFFFF80  }
0x6b: {  	[tilespmem:s18], [sflag:$0x3] =	stream.linear.gather [hbm4b:s8+s3], $0x80, $0x38;
	[tilespmem:$0x1C6A0] =	vst v63  }
0x6c: {  	_ =	swait.ge [sflag:s17], $0x80  }
0x6d: {  	[sflag:s17] =	ssyncset.done $0x0  }
0x6e: {  	[sflag:s17] =	ssyncadd.s32 $0xFFFFFF80  }
0x6f: {  	[tilespmem:s20], [sflag:$0x1] =	stream.indirect.gather [hbm4b:s4+s19], $0x80, s3, s19, $0xb8;
	[tilespmem:$0x1C6A0] =	vst v63  }
0x70: {  	s9 =	sadd.s32 s2, s12  }
0x71: {  	[tilespmem:s19], [sflag:$0x3] =	stream.linear.gather [hbm4b:s9+s3], $0x80, $0x38;
	[tilespmem:$0x1C6A0] =	vst v63  }
0x72: {  	_ =	swait.ge [sflag:s17], $0x80  }
0x73: {  	[sflag:s17] =	ssyncset.done $0x0  }
0x74: {  	s7 =	sadd.s32 s2, s11;
	[sflag:s17] =	ssyncadd.s32 $0xFFFFFF80  }
0x75: {  	[tilespmem:s21], [sflag:$0x3] =	stream.linear.gather [hbm4b:s7+s3], $0x80, $0x38;
	[tilespmem:$0x1C6A0] =	vst v63  }
0x76: {  	_ =	swait.ge [sflag:s17], $0x80  }
0x77: {  	[sflag:s17] =	ssyncset.done $0x0  }
0x78: {  	[sflag:s17] =	ssyncadd.s32 $0xFFFFFF80  }
0x79: {  	[tilespmem:s22], [sflag:$0x2] =	stream.indirect.gather [hbm4b:s4+s19], $0x80, s19, s19, $0xb8;
	[tilespmem:$0x1C6A0] =	vst v63  }
0x7a: {  	_ =	swait.ge [sflag:s23], $0x4000  }
0x7b: {  	[sflag:s23] =	ssyncset.done $0x0  }
0x7c: {  	[sflag:s23] =	ssyncadd.s32 $0xFFFFC000  }
0x7d: {  	[spmem:s1] =	stream.indirect.scatter.add.f32 [tilespmem:s20], [sflag:$0x3], $0x80, s18, s19, $0xb8;
	[tilespmem:$0x1C6A0] =	vst v63  }
0x7e: {  	_ =	swait.ge [sflag:s17], $0x4000  }
0x7f: {  	[sflag:s17] =	ssyncset.done $0x0  }
0x80: {  	[sflag:s17] =	ssyncadd.s32 $0xFFFFC000  }
0x81: {  	_ =	swait.ge [sflag:s24], $0x4000  }
0x82: {  	[sflag:s24] =	ssyncset.done $0x0  }
0x83: {  	[sflag:s24] =	ssyncadd.s32 $0xFFFFC000  }
0x84: {  	[spmem:s1] =	stream.indirect.scatter.add.f32 [tilespmem:s22], [sflag:$0x3], $0x80, s21, s19, $0xb8;
	[tilespmem:$0x1C6A0] =	vst v63  }
0x85: {  	_ =	swait.ge [sflag:s17], $0x4000  }
0x86: {  	[sflag:s17] =	ssyncset.done $0x0  }
0x87: {  	s8 =	rddreg [dreg:$0x3];
	[sflag:s17] =	ssyncadd.s32 $0xFFFFC000  }
0x88: {  	[tilespmem:s26], [sflag:$0x3] =	stream.linear.gather [hbm4b:s8+s3], $0x10, $0x38;
	[tilespmem:$0x1C6A0] =	vst v63  }
0x89: {  	_ =	swait.ge [sflag:s17], $0x10  }
0x8a: {  	[sflag:s17] =	ssyncset.done $0x0  }
0x8b: {  	s9 =	rddreg [dreg:$0x4];
	[sflag:s17] =	ssyncadd.s32 $0xFFFFFFF0  }
0x8c: {  	[tilespmem:s28], [sflag:$0x3] =	stream.linear.gather [hbm4b:s9+s3], $0x10, $0x38;
	[tilespmem:$0x1C6A0] =	vst v63  }
0x8d: {  	_ =	swait.ge [sflag:s17], $0x10  }
0x8e: {  	[sflag:s17] =	ssyncset.done $0x0  }
0x8f: {  	[sflag:s17] =	ssyncadd.s32 $0xFFFFFFF0  }
0x90: {  	[tilespmem:s30], [sflag:$0x1] =	stream.indirect.gather [hbm4b:s4+s29], $0x80, s26, s29, $0xb8;
	[tilespmem:$0x1C6A0] =	vst v63  }
0x91: {  	_ =	swait.ge [sflag:s23], $0x800  }
0x92: {  	[sflag:s23] =	ssyncset.done $0x0  }
0x93: {  	[sflag:s23] =	ssyncadd.s32 $0xFFFFF800  }
0x94: {  	[spmem:s1] =	stream.indirect.scatter.add.f32 [tilespmem:s30], [sflag:$0x3], $0x80, s28, s29, $0xb8;
	[tilespmem:$0x1C6A0] =	vst v63  }
0x95: {  	_ =	swait.ge [sflag:s17], $0x800  }
0x96: {  	[sflag:s17] =	ssyncset.done $0x0  }
0x97: {  	[sflag:s17] =	ssyncadd.s32 $0xFFFFF800  }
0x98: {  	[bflag:$0x0] =	sbarrier.arrive $0xFFFF  }
0x99: {  	s2 =	simm.s32 @p0 $0x1FC3;
	s6 =	rddreg [dreg:$0x6]  }
0x9a: {  	[hbm:s6], [sflag:s2] =	dma.local @p0 [spmem:s15], $0x1900  }
0x9b: {  	s2 =	simm.s32 @p0 $0x3  }
0x9c: {  	_ =	swait.ge @p0 [sflag:s2], $0x1900  }
0x9d: {  	s31 =	sadd.s32 $0x1, s31;
	[sflag:s2] =	ssyncset.done @p0 $0x0  }
0x9e: {  	p1 =	sne.s32 s31, s10;
	[sflag:s2] =	ssyncadd.s32 @p0 $0xFFFFE700;
	s2 =	rddreg [dreg:$0x5]  }
0x9f: {  	[hbm:s2], [sflag:s0] =	dma.local @!p0 [spmem:s25], $0x2800  }
.Ltmp1:
0xa0: {  	_ = 	snop;
	(pc) =	sbr.rel @p1 .LBB2_1-.Ltmp1, $4  }
0xa1: {  	s0 =	simm.s32 @!p0 $0x3  }
0xa2: {  	_ =	swait.ge @!p0 [sflag:s0], $0x2800  }
0xa3: {  	[sflag:s0] =	ssyncset.done @!p0 $0x0  }
0xa4: {  	[sflag:s0] =	ssyncadd.s32 @!p0 $0xFFFFD800  }
0xa5: {  	_ =	sfence.sel $0x180000  }
0xa6: {  	[bflag:$0x0] =	sbarrier.arrive $0xFFFF  }
0xa7: {  	_ =	strace $0x9000004D  }
0xa8: {  	s0 =	stileid.u32;
	[bflag:$0x2] =	sbarrier.arrive $0xFFFF  }
0xa9: {  	p0 =	sne.s32 s0, $0x0;
	s0 =	rddreg [dreg:$0x2]  }
0xaa: {  	s0 =	sadd.s32 @!p0 $0x100000, s0  }
0xab: {  	[sflag:s0] =	ssyncadd.tile.s32 @!p0 $0x1;
	_ =	shalt  }
.Lfunc_end2:
_tile_overlayer_lowered:
.L_overlay_start_2:
0xac: {  	(tag) =	ssettag $0x2  }
0xad: {  	s0 =	rddreg [dreg:$0x0];
	s2 =	stileid.u32  }
0xae: {  	s1 =	rddreg [dreg:$0x1];
	p0 =	sne.s32 s2, $0x0  }
0xaf: {  	s3 =	rddreg [dreg:$0x2];
	[bflag:$0x3] =	sbarrier.arrive $0xFFFF;
	s2 =	simm.s32 @!p0 $0x1C03  }
0xb0: {  	[timem:s3], [sflag:s2] =	dma.local @!p0 [hbm:s0], s1  }
0xb1: {  	s0 =	simm.s32 @!p0 $0x3  }
0xb2: {  	_ =	swait.ge @!p0 [sflag:s0], s1  }
0xb3: {  	s1 =	ssub.s32 @!p0 $0x0, s1;
	[sflag:s0] =	ssyncset.done @!p0 $0x0  }
0xb4: {  	[sflag:s0] =	ssyncadd.s32 @!p0 s1  }
0xb5: {  	[bflag:$0x3] =	sbarrier.arrive $0xFFFF  }
0xb6: {  	_ =	shalt  }

// kernel: kernel.8.cloned.1.call-start
scs
__scs_entry_jumppad:
0x0: {  	(pc) =	sbr.rel $0x88, $3  }
0x1: {  	(tag) =	ssettag $0x0;
	lr =	simm.s32 $0x1  }
0x2: {  	[smem:$0x3F8C] =	sst lr;
	_ =	strace $0xD0000000  }
0x3: {  	_ = 	snop  }
0x4: {  	_ = 	snop  }
0x5: {  	_ = 	snop  }
0x6: {  	_ = 	snop  }
0x7: {  	_ = 	snop  }
__scs_overlays_trampoline_lowered:
0x8: {  	[smem:$0x3F9B] =	sst s0  }
0x9: {  	[smem:$0x3F9C] =	sst s1  }
0xa: {  	[smem:$0x3F9D] =	sst s2  }
0xb: {  	[smem:$0x3F9E] =	sst s3  }
0xc: {  	[smem:$0x3F9F] =	sst s4  }
0xd: {  	[smem:$0x3FA0] =	sst s5  }
0xe: {  	[smem:$0x3FA1] =	sst s6  }
0xf: {  	[smem:$0x3FA2] =	sst s7  }
0x10: {  	[smem:$0x3FA3] =	sst s8  }
0x11: {  	[smem:$0x3FA4] =	sst s9;
	s0 =	simm.s32 @!p0 $0x0  }
0x12: {  	s1 =	sld [smem:$0x3F8A];
	s0 =	simm.s32 @p0 $0x1  }
0x13: {  	[smem:$0x3FA5] =	sst s0;
	s0 =	simm.s32 @!p1 $0x0  }
0x14: {  	s2 =	sld [smem:$0x3F89];
	s0 =	simm.s32 @p1 $0x1  }
0x15: {  	[smem:$0x3FA6] =	sst s0;
	s0 =	simm.s32 @!p2 $0x0  }
0x16: {  	s3 =	sld [smem:$0x3FDB];
	s0 =	simm.s32 @p2 $0x1  }
0x17: {  	s4 =	simm.s32 $0x1BF5;
	[smem:$0x3FA8] =	sst s0  }
0x18: {  	s0 =	sld [smem:$0x3F8B];
	_ =	swait.ge [sflag:s4], $0x0  }
0x19: {  	s7 =	sld [smem:$0x3F8C]  }
0x1a: {  	s8 =	sadd.s32 $0xFFFFE003, lr  }
0x1b: {  	s9 =	sadd.s32 $0xFFFFFEF7, lr;
	s5 =	simm.s32 $0xFFFFFFFF;
	p2 =	slt.u32 s8, $0xFFFFF086  }
0x1c: {  	p1 =	slt.u32 s9, $0xF7A;
	s5 =	simm.s32 @!p2 $0x0  }
0x1d: {  	s5 =	simm.s32 @p1 $0x1;
	p0 =	seq.s32 s7, s2  }
0x1e: {  	s7 =	smul.u32 @!p0 $0xF7A, s2;
	p2 =	seq.s32 @!p0 s5, $0x0  }
0x1f: {  	s9 =	smul.u32 $0xF7A, s1;
	s8 =	simm.s32 @!p0 $0x1BF5;
	p2 =	por !p2, p0  }
0x20: {  	[sflag:s8] =	ssyncset.s32 @!p0 $0xFFFFF086;
	s6 =	sadd.s32 @!p0 s3, s7;
	s7 =	simm.s32 @!p0 $0x108  }
0x21: {  	s3 =	sadd.s32 s3, s9;
	s6 =	sadd.s32 @!p0 $0x88, s6;
	s7 =	simm.s32 @p2 $0x1082  }
0x22: {  	[simem:s7], [sflag:s8] =	dma.local @!p0 [hbm:s6], $0xF7A  }
0x23: {  	s9 =	sor.u32 $0xD0000000, s2;
	s6 =	simm.s32 $0x108;
	_ =	swait.ge @!p0 [sflag:s8], $0x0  }
0x24: {  	s3 =	sadd.s32 $0x88, s3;
	s6 =	simm.s32 @!p1 $0x1082;
	[sflag:s4] =	ssyncset.s32 $0xFFFFF086  }
0x25: {  	[simem:s6], [sflag:s4] =	dma.local [hbm:s3], $0xF7A  }
0x26: {  	[smem:$0x3F8C] =	sst s1;
	(tag) =	ssettag s2;
	_ =	strace s9  }
0x27: {  	s1 =	sld [smem:$0x3F9C]  }
0x28: {  	s2 =	sld [smem:$0x3F9D]  }
0x29: {  	s4 =	sld [smem:$0x3F9F]  }
0x2a: {  	p0 =	seq.s32 s5, $0x0;
	s5 =	sld [smem:$0x3FA0]  }
0x2b: {  	s6 =	sld [smem:$0x3FA1]  }
0x2c: {  	s7 =	sld [smem:$0x3FA2]  }
0x2d: {  	s3 =	simm.s32 $0x108;
	s8 =	sld [smem:$0x3FA3]  }
0x2e: {  	s3 =	simm.s32 @!p0 $0x1082;
	s9 =	sld [smem:$0x3FA4]  }
0x2f: {  	lr =	sadd.s32 s0, s3;
	s0 =	sld [smem:$0x3F9B]  }
0x30: {  	s3 =	sld [smem:$0x3F9E]  }
0x31: {  	[smem:$0x3FA7] =	sst s10  }
0x32: {  	s10 =	sld [smem:$0x3FA5];
	_ =	sdelay $0x3  }
0x33: {  	p0 =	seq.s32 s10, $0x1;
	s10 =	sld [smem:$0x3FA7];
	_ =	sdelay $0x3  }
0x34: {  	[smem:$0x3FA7] =	sst s10  }
0x35: {  	s10 =	sld [smem:$0x3FA6];
	_ =	sdelay $0x3  }
0x36: {  	p1 =	seq.s32 s10, $0x1;
	s10 =	sld [smem:$0x3FA7];
	_ =	sdelay $0x3  }
0x37: {  	[smem:$0x3FA7] =	sst s10  }
0x38: {  	s10 =	sld [smem:$0x3FA8]  }
0x39: {  	_ = 	snop;
	(pc) =	sbr.ind lr, $3  }
0x3a: {  	_ = 	snop  }
0x3b: {  	_ = 	snop  }
0x3c: {  	p2 =	seq.s32 s10, $0x1;
	s10 =	sld [smem:$0x3FA7]  }
0x3d: {  	_ =	shalt  }
0x3e: {  	_ =	shalt  }
0x3f: {  	_ =	shalt  }
0x40: {  	_ =	shalt  }
0x41: {  	_ =	shalt  }
0x42: {  	_ =	shalt  }
0x43: {  	_ =	shalt  }
0x44: {  	_ =	shalt  }
0x45: {  	_ =	shalt  }
0x46: {  	_ =	shalt  }
0x47: {  	_ =	shalt  }
0x48: {  	_ =	shalt  }
0x49: {  	_ =	shalt  }
0x4a: {  	_ =	shalt  }
0x4b: {  	_ =	shalt  }
0x4c: {  	_ =	shalt  }
0x4d: {  	_ =	shalt  }
0x4e: {  	_ =	shalt  }
0x4f: {  	_ =	shalt  }
0x50: {  	_ =	shalt  }
0x51: {  	_ =	shalt  }
0x52: {  	_ =	shalt  }
0x53: {  	_ =	shalt  }
0x54: {  	_ =	shalt  }
0x55: {  	_ =	shalt  }
0x56: {  	_ =	shalt  }
0x57: {  	_ =	shalt  }
0x58: {  	_ =	shalt  }
0x59: {  	_ =	shalt  }
0x5a: {  	_ =	shalt  }
0x5b: {  	_ =	shalt  }
0x5c: {  	_ =	shalt  }
0x5d: {  	_ =	shalt  }
0x5e: {  	_ =	shalt  }
0x5f: {  	_ =	shalt  }
0x60: {  	_ =	shalt  }
0x61: {  	_ =	shalt  }
0x62: {  	_ =	shalt  }
0x63: {  	_ =	shalt  }
0x64: {  	_ =	shalt  }
0x65: {  	_ =	shalt  }
0x66: {  	_ =	shalt  }
0x67: {  	_ =	shalt  }
0x68: {  	_ =	shalt  }
0x69: {  	_ =	shalt  }
0x6a: {  	_ =	shalt  }
0x6b: {  	_ =	shalt  }
0x6c: {  	_ =	shalt  }
0x6d: {  	_ =	shalt  }
0x6e: {  	_ =	shalt  }
0x6f: {  	_ =	shalt  }
0x70: {  	_ =	shalt  }
0x71: {  	_ =	shalt  }
0x72: {  	_ =	shalt  }
0x73: {  	_ =	shalt  }
0x74: {  	_ =	shalt  }
0x75: {  	_ =	shalt  }
0x76: {  	_ =	shalt  }
0x77: {  	_ =	shalt  }
0x78: {  	_ =	shalt  }
0x79: {  	_ =	shalt  }
0x7a: {  	_ =	shalt  }
0x7b: {  	_ =	shalt  }
0x7c: {  	_ =	shalt  }
0x7d: {  	_ =	shalt  }
0x7e: {  	_ =	shalt  }
0x7f: {  	_ =	shalt  }
0x80: {  	_ =	shalt  }
0x81: {  	_ =	shalt  }
0x82: {  	_ =	shalt  }
0x83: {  	_ =	shalt  }
0x84: {  	_ =	shalt  }
0x85: {  	_ =	shalt  }
0x86: {  	_ =	shalt  }
0x87: {  	_ =	shalt  }
.Lfunc_end0:
.L_simem_size_0:
called_computation_lowered:
.L_overlay_start_0:
0x88: {  	s2 =	sld [smem:$0x3FD9]  }
0x89: {  	s3 =	sld [smem:$0x3FFE];
	_ =	sdelay $0x1  }
0x8a: {  	s1 =	srdreg.scid  }
0x8b: {  	s0 =	sand.u32 $0x1, s1  }
0x8c: {  	s16 =	sshll.u32 s0, $0xA;
	s2 =	sadd.s32 s3, s2  }
0x8d: {  	s2 =	sadd.s32 s2, s16  }
0x8e: {  	[smem:$0x3FB3] =	sst s2  }
0x8f: {  	_ = 	snop  }
0x90: {  	(tm) =	ssettm $0x1  }
0x91: {  	s17 =	sld [smem:$0x3FFB];
	_ =	sdelay $0x3  }
0x92: {  	_ =	strace s17  }
0x93: {  	s2 =	sld [smem:$0x3FFC];
	_ =	sdelay $0x3  }
0x94: {  	_ =	strace s2  }
0x95: {  	s2 =	sld [smem:$0x3FFD];
	_ =	sdelay $0x3  }
0x96: {  	_ =	strace s2  }
0x97: {  	_ =	strace $0x8FFFFFFF  }
0x98: {  	s18 =	sld [smem:$0x3FDB];
	_ =	sdelay $0x1  }
0x99: {  	s19 =	simm.s32 $_scs_section_size  }
0x9a: {  	s4 =	simm.s32 $_size__tile_overlayer_lowered;
	s5 =	simm.s32 $_tile_overlayer_lowered  }
0x9b: {  	s22 =	simm.s32 $0x1BFF;
	s21 =	sshll.u32 s5, $0x1;
	s2 =	sadd.s32 s19, s18  }
0x9c: {  	s6 =	simm.s32 $0x0;
	s20 =	sshll.u32 s4, $0x1;
	s4 =	sadd.s32 s21, s2  }
0x9d: {  	[timem:s6], [sflag:s22] =	dma.local [hbm:s4], s20  }
0x9e: {  	_ =	swait.ge [sflag:s22], s20  }
0x9f: {  	s3 =	ssub.s32 $0x0, s20;
	[sflag:s22] =	ssyncset.done $0x0  }
0xa0: {  	[sflag:s22] =	ssyncadd.s32 s3;
	_ =	sdelay $0x1  }
0xa1: {  	s23 =	simm.s32 $0x1B8B  }
0xa2: {  	_ =	swait.ge [sflag:s23], $0x1  }
0xa3: {  	[sflag:s23] =	ssyncset.done $0x0  }
0xa4: {  	s25 =	simm.s32 $0x1B8E;
	s24 =	sld [smem:$0x3FFE];
	[sflag:s23] =	ssyncadd.s32 $0xFFFFFFFF  }
0xa5: {  	s26 =	simm.s32 $execute0_lowered;
	[smem:$0x3FD2] =	sst s25  }
0xa6: {  	s4 =	sshll.u32 s26, $0x1;
	_ =	strace $0x80000046;
	[dreg:$0x1] =	wrdreg $0xFFFFFFFF  }
0xa7: {  	s28 =	simm.s32 $_size_execute0_lowered;
	s2 =	sadd.s32 s2, s4;
	[dreg:$0x0] =	wrdreg $0x0  }
0xa8: {  	s4 =	sshll.u32 s28, $0x1;
	[dreg:$0x2] =	wrdreg s2  }
0xa9: {  	[dreg:$0x3] =	wrdreg s4  }
0xaa: {  	[dreg:$0x4] =	wrdreg $0xC0  }
0xab: {  	_ =	task [dreg:s6], $0x5FFFF  }
0xac: {  	[dreg:$0x1] =	wrdreg $0xFFFFFFFF  }
0xad: {  	[dreg:$0x0] =	wrdreg $0x60  }
0xae: {  	[dreg:$0x2] =	wrdreg s24  }
0xaf: {  	[dreg:$0x3] =	wrdreg $0x9B200  }
0xb0: {  	[dreg:$0x4] =	wrdreg $0x9  }
0xb1: {  	_ =	task.clear_ibuf [dreg:s6], $0x5FFFF;
	_ =	strace $0x90000046  }
0xb2: {  	s29 =	simm.s32 $0x9;
	_ =	strace $0x80000048  }
0xb3: {  	_ =	swait.ge [sflag:s29], $0x1  }
0xb4: {  	[sflag:s29] =	ssyncadd.s32 $0xFFFFFFFF  }
0xb5: {  	_ =	strace $0x90000048  }
0xb6: {  	_ =	sfence  }
0xb7: {  	s30 =	sld [smem:$0x0];
	_ =	sdelay $0x2  }
0xb8: {  	s31 =	sshll.u32 s1, $0xD;
	s1 =	sshrl.u32 s1, $0x2  }
0xb9: {  	s3 =	sand.u32 $0x4000, s31;
	s1 =	sadd.s32 s1, s30  }
0xba: {  	s0 =	sor.u32 s3, s0;
	s1 =	sshll.u32 s1, $0x11  }
0xbb: {  	s0 =	sor.u32 s1, s0  }
0xbc: {  	s0 =	sadd.s32 $0x8F2B, s0  }
0xbd: {  	[sflag:s0] =	ssyncadd.remote.s32 $0x1  }
0xbe: {  	_ =	sfence.sel $0xFFFF  }
0xbf: {  	[dreg:$0x0] =	wrdreg $0xFFFFFFFF;
	(pc) =	sbr.abs _section_cstart, $3  }
0xc0: {  	[dreg:$0x1] =	wrdreg $0xFFFFFFFF  }
0xc1: {  	_ =	task.clear_ibuf [dreg:s6], $0x2FFFF;
	_ =	strace $0x9FFFFFFF  }
0xc2: {  	(tm) =	ssettm $0x7FFFFFFF  }
0xc3: {  	_ =	shalt  }
tec
execute0_lowered:
.L_overlay_start_1:
0x0: {  	(tag) =	ssettag $0x1  }
0x1: {  	s0 =	rddreg [dreg:$0x0]  }
0x2: {  	s1 =	rddreg [dreg:$0x1]  }
0x3: {  	s3 =	simm.s32 $0x0;
	s2 =	srdreg.scid;
	s16 =	stileid.u32  }
0x4: {  	s17 =	simm.s32 $0x3;
	s28 =	simm.s32 $0x9210;
	s29 =	simm.s32 $0x10  }
0x5: {  	s30 =	simm.s32 $0x9220;
	s31 =	simm.s32 $0x0;
	[smem:$0x7FF] =	sst s3  }
0x6: {  	s4 =	sadd.s32 $0x2E00, s0;
	s2 =	sand.u32 $0x1, s2;
	s7 =	smul.u32 $0x5A000, s16  }
0x7: {  	s6 =	sadd.s32 $0x38C00, s0;
	s13 =	sadd.s32 $0x2EE00, s0;
	s12 =	smul.u32 $0x16800, s16  }
0x8: {  	s19 =	smul.u32 $0x4E20, s16;
	s15 =	sadd.s32 $0x151800, s1;
	p0 =	seq.s32 s16, $0xF  }
0x9: {  	s5 =	sshll.u32 s16, $0x1;
	_ =	strace $0x80000047;
	s11 =	smul.u32 $0x15F900, s2  }
0xa: {  	s5 =	sor.u32 s2, s5;
	s8 =	ssub.s32 $0x2, s2;
	s2 =	smul.u32 $0x2710, s2  }
0xb: {  	s15 =	sshrl.u32 @p0 s15, $0x3;
	s9 =	smul.u32 $0x2710, s5;
	s5 =	sadd.s32 $0x42A00, s0  }
0xc: {  	s10 =	sshrl.u32 s8, $0x1;
	s0 =	sadd.s32 $0x45800, s0;
	s7 =	sshrl.u32 s7, $0x2  }
0xd: {  	s25 =	sadd.s32 s12, s1;
	s10 =	ssub.s32 s8, s10;
	s7 =	sadd.s32 s7, s1  }
0xe: {  	s20 =	sadd.s32 s12, s11;
	s2 =	sadd.s32 s2, s19;
	s22 =	sshrl.u32 s11, $0x3  }
0xf: {  	s19 =	simm.s32 $0x80;
	s25 =	sshrl.u32 @!p0 s25, $0x3;
	s18 =	sshrl.u32 s9, $0x3  }
0x10: {  	s21 =	sshrl.u32 s20, $0x3;
	s23 =	sadd.s32 $0x80, s2;
	s10 =	smax.u32 s10, $0x1  }
0x11: {  	s26 =	sshrl.u32 s2, $0x3;
	s16 =	sshrl.u32 @!p0 s7, $0x3;
	s20 =	simm.s32 $0x200  }
0x12: {  	s8 =	sadd.s32 $0x4E0, s18;
	s24 =	sshrl.u32 s23, $0x3;
	s18 =	simm.s32 $0x100  }
0x13: {  	s23 =	simm.s32 $0x1;
	s14 =	sadd.s32 s6, s8;
	s8 =	sadd.s32 s13, s8  }
0x14: {  	s11 =	sadd.s32 s24, s13;
	s12 =	sadd.s32 s24, s6;
	[dreg:$0x3] =	wrdreg s14  }
0x15: {  	s13 =	sadd.s32 s26, s13;
	s24 =	simm.s32 $0x2;
	[dreg:$0x4] =	wrdreg s8  }
0x16: {  	s8 =	sadd.s32 s0, s21;
	s0 =	sadd.s32 s0, s22;
	s14 =	sadd.s32 s26, s6  }
0x17: {  	s21 =	simm.s32 $0x180;
	[dreg:$0x5] =	wrdreg s8;
	s0 =	sadd.s32 $0x2A300, s0  }
0x18: {  	s22 =	simm.s32 $0x4A00;
	s26 =	simm.s32 $0x9200;
	[dreg:$0x6] =	wrdreg s0  }
.LBB2_1:
0x19: {  	s0 =	simm.s32 @p0 $0x1FC3  }
0x1a: {  	[spmem:s15], [sflag:s0] =	dma.local @p0 [hbm:s5], $0x2520  }
0x1b: {  	s0 =	simm.s32 @p0 $0x3  }
0x1c: {  	s2 =	stileid.u32;
	_ =	swait.ge @p0 [sflag:s0], $0x2520  }
0x1d: {  	s2 =	sshll.u32 @!p0 s2, $0x6;
	[sflag:s0] =	ssyncset.done @p0 $0x0  }
0x1e: {  	[sflag:s0] =	ssyncadd.s32 @p0 $0xFFFFDAE0;
	s0 =	sor.u32 @!p0 $0x1C03, s2;
	s2 =	simm.s32 @!p0 $0x3  }
0x1f: {  	[spmem:s16], [sflag:s0] =	dma.local @!p0 [hbm:s5], $0x2D00  }
0x20: {  	_ =	swait.ge @!p0 [sflag:s2], $0x2D00  }
0x21: {  	[sflag:s2] =	ssyncset.done @!p0 $0x0  }
0x22: {  	[sflag:s2] =	ssyncadd.s32 @!p0 $0xFFFFD300  }
0x23: {  	s6 =	sadd.s32 $0x0, s14;
	[bflag:$0x0] =	sbarrier.arrive $0xFFFF  }
0x24: {  	[tilespmem:s3], [sflag:$0x3] =	stream.linear.gather [hbm4b:s6+s3], $0x80, $0x38;
	[tilespmem:$0x1FF30] =	vst v63  }
0x25: {  	_ =	swait.ge [sflag:s17], $0x80  }
0x26: {  	[sflag:s17] =	ssyncset.done $0x0  }
0x27: {  	s7 =	sadd.s32 $0x0, s13;
	[sflag:s17] =	ssyncadd.s32 $0xFFFFFF80  }
0x28: {  	[tilespmem:s18], [sflag:$0x3] =	stream.linear.gather [hbm4b:s7+s3], $0x80, $0x38;
	[tilespmem:$0x1FF30] =	vst v63  }
0x29: {  	_ =	swait.ge [sflag:s17], $0x80  }
0x2a: {  	[sflag:s17] =	ssyncset.done $0x0  }
0x2b: {  	[sflag:s17] =	ssyncadd.s32 $0xFFFFFF80  }
0x2c: {  	[tilespmem:s20], [sflag:$0x1] =	stream.indirect.gather [hbm4b:s4+s19], $0x90, s3, s19, $0xb8;
	[tilespmem:$0x1FF30] =	vst v63  }
0x2d: {  	s8 =	sadd.s32 $0x0, s12  }
0x2e: {  	[tilespmem:s19], [sflag:$0x3] =	stream.linear.gather [hbm4b:s8+s3], $0x80, $0x38;
	[tilespmem:$0x1FF30] =	vst v63  }
0x2f: {  	_ =	swait.ge [sflag:s17], $0x80  }
0x30: {  	[sflag:s17] =	ssyncset.done $0x0  }
0x31: {  	s9 =	sadd.s32 $0x0, s11;
	[sflag:s17] =	ssyncadd.s32 $0xFFFFFF80  }
0x32: {  	[tilespmem:s21], [sflag:$0x3] =	stream.linear.gather [hbm4b:s9+s3], $0x80, $0x38;
	[tilespmem:$0x1FF30] =	vst v63  }
0x33: {  	_ =	swait.ge [sflag:s17], $0x80  }
0x34: {  	[sflag:s17] =	ssyncset.done $0x0  }
0x35: {  	[sflag:s17] =	ssyncadd.s32 $0xFFFFFF80  }
0x36: {  	[tilespmem:s22], [sflag:$0x2] =	stream.indirect.gather [hbm4b:s4+s19], $0x90, s19, s19, $0xb8;
	[tilespmem:$0x1FF30] =	vst v63  }
0x37: {  	_ =	swait.ge [sflag:s23], $0x4800  }
0x38: {  	[sflag:s23] =	ssyncset.done $0x0  }
0x39: {  	[sflag:s23] =	ssyncadd.s32 $0xFFFFB800  }
0x3a: {  	[spmem:s1] =	stream.indirect.scatter.add.f32 [tilespmem:s20], [sflag:$0x3], $0x90, s18, s19, $0xb8;
	[tilespmem:$0x1FF30] =	vst v63  }
0x3b: {  	_ =	swait.ge [sflag:s17], $0x4800  }
0x3c: {  	[sflag:s17] =	ssyncset.done $0x0  }
0x3d: {  	[sflag:s17] =	ssyncadd.s32 $0xFFFFB800  }
0x3e: {  	_ =	swait.ge [sflag:s24], $0x4800  }
0x3f: {  	[sflag:s24] =	ssyncset.done $0x0  }
0x40: {  	[sflag:s24] =	ssyncadd.s32 $0xFFFFB800  }
0x41: {  	[spmem:s1] =	stream.indirect.scatter.add.f32 [tilespmem:s22], [sflag:$0x3], $0x90, s21, s19, $0xb8;
	[tilespmem:$0x1FF30] =	vst v63  }
0x42: {  	_ =	swait.ge [sflag:s17], $0x4800  }
0x43: {  	s2 =	simm.s32 $0x20;
	s6 =	simm.s32 $0x40;
	[sflag:s17] =	ssyncset.done $0x0  }
.LBB2_2:
0x44: {  	s8 =	sadd.s32 s2, s14  }
0x45: {  	[sflag:s17] =	ssyncadd.s32 $0xFFFFB800;
	s9 =	smov.u32 s6;
	s7 =	sadd.s32 $0x20, s6  }
0x46: {  	[tilespmem:s3], [sflag:$0x3] =	stream.linear.gather [hbm4b:s8+s3], $0x80, $0x38;
	[tilespmem:$0x1FF30] =	vst v63  }
0x47: {  	p1 =	sne.s32 s6, $0x4C0;
	_ =	swait.ge [sflag:s17], $0x80  }
0x48: {  	[sflag:s17] =	ssyncset.done $0x0  }
0x49: {  	s6 =	sadd.s32 s2, s13;
	[sflag:s17] =	ssyncadd.s32 $0xFFFFFF80  }
0x4a: {  	[tilespmem:s18], [sflag:$0x3] =	stream.linear.gather [hbm4b:s6+s3], $0x80, $0x38;
	[tilespmem:$0x1FF30] =	vst v63  }
0x4b: {  	_ =	swait.ge [sflag:s17], $0x80  }
0x4c: {  	[sflag:s17] =	ssyncset.done $0x0  }
0x4d: {  	[sflag:s17] =	ssyncadd.s32 $0xFFFFFF80  }
0x4e: {  	[tilespmem:s20], [sflag:$0x1] =	stream.indirect.gather [hbm4b:s4+s19], $0x90, s3, s19, $0xb8;
	[tilespmem:$0x1FF30] =	vst v63  }
0x4f: {  	s6 =	sadd.s32 s2, s12  }
0x50: {  	[tilespmem:s19], [sflag:$0x3] =	stream.linear.gather [hbm4b:s6+s3], $0x80, $0x38;
	[tilespmem:$0x1FF30] =	vst v63  }
0x51: {  	_ =	swait.ge [sflag:s17], $0x80  }
0x52: {  	[sflag:s17] =	ssyncset.done $0x0  }
0x53: {  	s6 =	sadd.s32 s2, s11;
	s2 =	smov.u32 s9;
	[sflag:s17] =	ssyncadd.s32 $0xFFFFFF80  }
0x54: {  	[tilespmem:s21], [sflag:$0x3] =	stream.linear.gather [hbm4b:s6+s3], $0x80, $0x38;
	[tilespmem:$0x1FF30] =	vst v63  }
0x55: {  	_ =	swait.ge [sflag:s17], $0x80  }
0x56: {  	[sflag:s17] =	ssyncset.done $0x0  }
0x57: {  	[sflag:s17] =	ssyncadd.s32 $0xFFFFFF80  }
0x58: {  	[tilespmem:s22], [sflag:$0x2] =	stream.indirect.gather [hbm4b:s4+s19], $0x90, s19, s19, $0xb8;
	[tilespmem:$0x1FF30] =	vst v63  }
0x59: {  	_ =	swait.ge [sflag:s23], $0x4800  }
0x5a: {  	[sflag:s23] =	ssyncset.done $0x0  }
0x5b: {  	[sflag:s23] =	ssyncadd.s32 $0xFFFFB800  }
0x5c: {  	[spmem:s1] =	stream.indirect.scatter.add.f32 [tilespmem:s20], [sflag:$0x3], $0x90, s18, s19, $0xb8;
	[tilespmem:$0x1FF30] =	vst v63  }
0x5d: {  	_ =	swait.ge [sflag:s17], $0x4800  }
0x5e: {  	[sflag:s17] =	ssyncset.done $0x0  }
0x5f: {  	[sflag:s17] =	ssyncadd.s32 $0xFFFFB800  }
0x60: {  	_ =	swait.ge [sflag:s24], $0x4800  }
.Ltmp0:
0x61: {  	[sflag:s24] =	ssyncset.done $0x0;
	(pc) =	sbr.rel @p1 .LBB2_2-.Ltmp0, $4  }
0x62: {  	[sflag:s24] =	ssyncadd.s32 $0xFFFFB800  }
0x63: {  	[spmem:s1] =	stream.indirect.scatter.add.f32 [tilespmem:s22], [sflag:$0x3], $0x90, s21, s19, $0xb8;
	[tilespmem:$0x1FF30] =	vst v63  }
0x64: {  	_ =	swait.ge [sflag:s17], $0x4800  }
0x65: {  	s6 =	smov.u32 s7;
	[sflag:s17] =	ssyncset.done $0x0  }
0x66: {  	s6 =	sadd.s32 s2, s14;
	[sflag:s17] =	ssyncadd.s32 $0xFFFFB800  }
0x67: {  	[tilespmem:s3], [sflag:$0x3] =	stream.linear.gather [hbm4b:s6+s3], $0x80, $0x38;
	[tilespmem:$0x1FF30] =	vst v63  }
0x68: {  	_ =	swait.ge [sflag:s17], $0x80  }
0x69: {  	[sflag:s17] =	ssyncset.done $0x0  }
0x6a: {  	s8 =	sadd.s32 s2, s13;
	[sflag:s17] =	ssyncadd.s32 $0xFFFFFF80  }
0x6b: {  	[tilespmem:s18], [sflag:$0x3] =	stream.linear.gather [hbm4b:s8+s3], $0x80, $0x38;
	[tilespmem:$0x1FF30] =	vst v63  }
0x6c: {  	_ =	swait.ge [sflag:s17], $0x80  }
0x6d: {  	[sflag:s17] =	ssyncset.done $0x0  }
0x6e: {  	[sflag:s17] =	ssyncadd.s32 $0xFFFFFF80  }
0x6f: {  	[tilespmem:s20], [sflag:$0x1] =	stream.indirect.gather [hbm4b:s4+s19], $0x90, s3, s19, $0xb8;
	[tilespmem:$0x1FF30] =	vst v63  }
0x70: {  	s9 =	sadd.s32 s2, s12  }
0x71: {  	[tilespmem:s19], [sflag:$0x3] =	stream.linear.gather [hbm4b:s9+s3], $0x80, $0x38;
	[tilespmem:$0x1FF30] =	vst v63  }
0x72: {  	_ =	swait.ge [sflag:s17], $0x80  }
0x73: {  	[sflag:s17] =	ssyncset.done $0x0  }
0x74: {  	s7 =	sadd.s32 s2, s11;
	[sflag:s17] =	ssyncadd.s32 $0xFFFFFF80  }
0x75: {  	[tilespmem:s21], [sflag:$0x3] =	stream.linear.gather [hbm4b:s7+s3], $0x80, $0x38;
	[tilespmem:$0x1FF30] =	vst v63  }
0x76: {  	_ =	swait.ge [sflag:s17], $0x80  }
0x77: {  	[sflag:s17] =	ssyncset.done $0x0  }
0x78: {  	[sflag:s17] =	ssyncadd.s32 $0xFFFFFF80  }
0x79: {  	[tilespmem:s22], [sflag:$0x2] =	stream.indirect.gather [hbm4b:s4+s19], $0x90, s19, s19, $0xb8;
	[tilespmem:$0x1FF30] =	vst v63  }
0x7a: {  	_ =	swait.ge [sflag:s23], $0x4800  }
0x7b: {  	[sflag:s23] =	ssyncset.done $0x0  }
0x7c: {  	[sflag:s23] =	ssyncadd.s32 $0xFFFFB800  }
0x7d: {  	[spmem:s1] =	stream.indirect.scatter.add.f32 [tilespmem:s20], [sflag:$0x3], $0x90, s18, s19, $0xb8;
	[tilespmem:$0x1FF30] =	vst v63  }
0x7e: {  	_ =	swait.ge [sflag:s17], $0x4800  }
0x7f: {  	[sflag:s17] =	ssyncset.done $0x0  }
0x80: {  	[sflag:s17] =	ssyncadd.s32 $0xFFFFB800  }
0x81: {  	_ =	swait.ge [sflag:s24], $0x4800  }
0x82: {  	[sflag:s24] =	ssyncset.done $0x0  }
0x83: {  	[sflag:s24] =	ssyncadd.s32 $0xFFFFB800  }
0x84: {  	[spmem:s1] =	stream.indirect.scatter.add.f32 [tilespmem:s22], [sflag:$0x3], $0x90, s21, s19, $0xb8;
	[tilespmem:$0x1FF30] =	vst v63  }
0x85: {  	_ =	swait.ge [sflag:s17], $0x4800  }
0x86: {  	[sflag:s17] =	ssyncset.done $0x0  }
0x87: {  	s8 =	rddreg [dreg:$0x3];
	[sflag:s17] =	ssyncadd.s32 $0xFFFFB800  }
0x88: {  	[tilespmem:s26], [sflag:$0x3] =	stream.linear.gather [hbm4b:s8+s3], $0x10, $0x38;
	[tilespmem:$0x1FF30] =	vst v63  }
0x89: {  	_ =	swait.ge [sflag:s17], $0x10  }
0x8a: {  	[sflag:s17] =	ssyncset.done $0x0  }
0x8b: {  	s9 =	rddreg [dreg:$0x4];
	[sflag:s17] =	ssyncadd.s32 $0xFFFFFFF0  }
0x8c: {  	[tilespmem:s28], [sflag:$0x3] =	stream.linear.gather [hbm4b:s9+s3], $0x10, $0x38;
	[tilespmem:$0x1FF30] =	vst v63  }
0x8d: {  	_ =	swait.ge [sflag:s17], $0x10  }
0x8e: {  	[sflag:s17] =	ssyncset.done $0x0  }
0x8f: {  	[sflag:s17] =	ssyncadd.s32 $0xFFFFFFF0  }
0x90: {  	[tilespmem:s30], [sflag:$0x1] =	stream.indirect.gather [hbm4b:s4+s29], $0x90, s26, s29, $0xb8;
	[tilespmem:$0x1FF30] =	vst v63  }
0x91: {  	_ =	swait.ge [sflag:s23], $0x900  }
0x92: {  	[sflag:s23] =	ssyncset.done $0x0  }
0x93: {  	[sflag:s23] =	ssyncadd.s32 $0xFFFFF700  }
0x94: {  	[spmem:s1] =	stream.indirect.scatter.add.f32 [tilespmem:s30], [sflag:$0x3], $0x90, s28, s29, $0xb8;
	[tilespmem:$0x1FF30] =	vst v63  }
0x95: {  	_ =	swait.ge [sflag:s17], $0x900  }
0x96: {  	[sflag:s17] =	ssyncset.done $0x0  }
0x97: {  	[sflag:s17] =	ssyncadd.s32 $0xFFFFF700  }
0x98: {  	[bflag:$0x0] =	sbarrier.arrive $0xFFFF  }
0x99: {  	s2 =	simm.s32 @p0 $0x1FC3;
	s6 =	rddreg [dreg:$0x6]  }
0x9a: {  	[hbm:s6], [sflag:s2] =	dma.local @p0 [spmem:s15], $0x1C20  }
0x9b: {  	s2 =	simm.s32 @p0 $0x3  }
0x9c: {  	_ =	swait.ge @p0 [sflag:s2], $0x1C20  }
0x9d: {  	s31 =	sadd.s32 $0x1, s31;
	[sflag:s2] =	ssyncset.done @p0 $0x0  }
0x9e: {  	p1 =	sne.s32 s31, s10;
	[sflag:s2] =	ssyncadd.s32 @p0 $0xFFFFE3E0;
	s2 =	rddreg [dreg:$0x5]  }
0x9f: {  	[hbm:s2], [sflag:s0] =	dma.local @!p0 [spmem:s25], $0x2D00  }
.Ltmp1:
0xa0: {  	_ = 	snop;
	(pc) =	sbr.rel @p1 .LBB2_1-.Ltmp1, $4  }
0xa1: {  	s0 =	simm.s32 @!p0 $0x3  }
0xa2: {  	_ =	swait.ge @!p0 [sflag:s0], $0x2D00  }
0xa3: {  	[sflag:s0] =	ssyncset.done @!p0 $0x0  }
0xa4: {  	[sflag:s0] =	ssyncadd.s32 @!p0 $0xFFFFD300  }
0xa5: {  	_ =	sfence.sel $0x180000  }
0xa6: {  	[bflag:$0x0] =	sbarrier.arrive $0xFFFF  }
0xa7: {  	_ =	strace $0x90000047  }
0xa8: {  	s0 =	stileid.u32;
	[bflag:$0x2] =	sbarrier.arrive $0xFFFF  }
0xa9: {  	p0 =	sne.s32 s0, $0x0;
	s0 =	rddreg [dreg:$0x2]  }
0xaa: {  	s0 =	sadd.s32 @!p0 $0x100000, s0  }
0xab: {  	[sflag:s0] =	ssyncadd.tile.s32 @!p0 $0x1;
	_ =	shalt  }
.Lfunc_end2:
_tile_overlayer_lowered:
.L_overlay_start_2:
0xac: {  	(tag) =	ssettag $0x2  }
0xad: {  	s0 =	rddreg [dreg:$0x0];
	s2 =	stileid.u32  }
0xae: {  	s1 =	rddreg [dreg:$0x1];
	p0 =	sne.s32 s2, $0x0  }
0xaf: {  	s3 =	rddreg [dreg:$0x2];
	[bflag:$0x3] =	sbarrier.arrive $0xFFFF;
	s2 =	simm.s32 @!p0 $0x1C03  }
0xb0: {  	[timem:s3], [sflag:s2] =	dma.local @!p0 [hbm:s0], s1  }
0xb1: {  	s0 =	simm.s32 @!p0 $0x3  }
0xb2: {  	_ =	swait.ge @!p0 [sflag:s0], s1  }
0xb3: {  	s1 =	ssub.s32 @!p0 $0x0, s1;
	[sflag:s0] =	ssyncset.done @!p0 $0x0  }
0xb4: {  	[sflag:s0] =	ssyncadd.s32 @!p0 s1  }
0xb5: {  	[bflag:$0x3] =	sbarrier.arrive $0xFFFF  }
0xb6: {  	_ =	shalt  }

</sc_bundles>
